<compile_context>
chip_gen: v7x
topology: tpu7x:2x2x1
jax: 0.10.2.dev20260603
libtpu: 0.0.44.dev20260713+nightly
codegen_flags: <defaults>
</compile_context>

<pallas_src>
import jax
import jax.numpy as jnp
from jax import lax
from jax.experimental import pallas as pl
from jax.experimental.pallas import tpu as pltpu
from jax.experimental.pallas import tpu_sc as plsc

_B = 4
_S = 2048
_H = 2048
_POS_OFFSET = 2
_NC = 2
_NS = 16
_NW = _NC * _NS
_SPW = _S // _NW
_C = 4
_K = _SPW // _C
_G = _B * _C
_IDXC = _G + 8
_LANES = 16
_VPR = _H // _LANES


def _sc_body(ids_hbm, table_hbm, pos_hbm, out_hbm,
             idx_v, rows3, pos3, gsem, psem, wsem):
    wid = lax.axis_index("s") * _NC + lax.axis_index("c")
    s0 = wid * _SPW

    pltpu.sync_copy(ids_hbm.at[wid], idx_v)

    def gather(k, slot):
        pltpu.async_copy(
            table_hbm.at[idx_v.at[pl.ds(k * _IDXC, _G)]], rows3.at[slot], gsem)

    def pload(k, slot):
        pltpu.async_copy(
            pos_hbm.at[idx_v.at[pl.ds(k * _IDXC + _G, _C)]], pos3.at[slot], psem)

    def wout(k, slot):
        for b in range(_B):
            pltpu.async_copy(
                rows3.at[slot].at[pl.ds(b * _C, _C)],
                out_hbm.at[b, pl.ds(s0 + k * _C, _C)],
                wsem,
            )

    def gwait(slot):
        pltpu.make_async_copy(
            table_hbm.at[pl.ds(0, _G)], rows3.at[slot], gsem).wait()

    def pwait(slot):
        pltpu.make_async_copy(
            pos_hbm.at[pl.ds(0, _C)], pos3.at[slot], psem).wait()

    def wwait(slot):
        for b in range(_B):
            pltpu.make_async_copy(
                rows3.at[slot].at[pl.ds(b * _C, _C)],
                out_hbm.at[b, pl.ds(s0, _C)], wsem).wait()

    def add(slot):
        rowsb = rows3.at[slot]
        posb = pos3.at[slot]

        @plsc.parallel_loop(0, _C * _VPR, unroll=4)
        def _(j):
            r = j // _VPR
            off = (j % _VPR) * _LANES
            pv = posb[r, pl.ds(off, _LANES)]
            for b in range(_B):
                row = b * _C + r
                rowsb[row, pl.ds(off, _LANES)] = (
                    rowsb[row, pl.ds(off, _LANES)] + pv
                )

    gather(0, 0)
    gather(1, 1)
    gather(2, 2)
    pload(0, 0)
    pload(1, 1)
    pload(2, 2)

    def body(k, carry):
        s = lax.rem(k, 3)
        s1 = lax.rem(k + 1, 3)

        @pl.when(k >= 2)
        def _():
            wwait(s1)

        @pl.when(jnp.logical_and(2 <= k, k + 1 < _K))
        def _():
            gather(k + 1, s1)

        gwait(s)
        pwait(s)
        add(s)
        wout(k, s)

        @pl.when(k + 3 < _K)
        def _():
            pload(k + 3, s)

        return carry

    lax.fori_loop(0, _K, body, 0)

    wwait((_K - 2) % 3)
    wwait((_K - 1) % 3)


@jax.jit
def _embed(ids_r, token_table, pos_table):
    mesh = plsc.VectorSubcoreMesh(core_axis_name="c", subcore_axis_name="s")
    fn = pl.kernel(
        _sc_body,
        out_type=jax.ShapeDtypeStruct((_B, _S, _H), jnp.float32),
        mesh=mesh,
        scratch_types=[
            pltpu.VMEM((_K * _IDXC,), jnp.int32),
            pltpu.VMEM((3, _G, _H), jnp.float32),
            pltpu.VMEM((3, _C, _H), jnp.float32),
            pltpu.SemaphoreType.DMA,
            pltpu.SemaphoreType.DMA,
            pltpu.SemaphoreType.DMA,
        ],
    )
    return fn(ids_r, token_table, pos_table)


def kernel(token_ids, token_table, pos_table):
    tok = (
        token_ids.reshape(_B, _NW, _K, _C)
        .transpose(1, 2, 0, 3)
        .reshape(_NW, _K, _G)
    )
    pos_idx = (
        jnp.arange(_POS_OFFSET, _POS_OFFSET + _S, dtype=jnp.int32)
        .reshape(_NW, _K, _C)
    )
    pad = jnp.zeros((_NW, _K, _IDXC - _G - _C), dtype=jnp.int32)
    ids_r = jnp.concatenate([tok, pos_idx, pad], axis=-1).reshape(_NW, _K * _IDXC)
    return _embed(ids_r, token_table, pos_table)

# --- scband reference (transcript-rebuilt; emitter-appended) ---
"""Pipeline reference for scband-blip2-optembeddings-8993661517961 (READ-ONLY COPY).

The authoritative reference and input builder live on the scoring server;
editing this copy changes nothing except your own understanding.
"""

import jax, jax.numpy as jnp
import numpy as np

VOCAB = 50272
HIDDEN = 2048
MAX_SEQ = 2048
POS_OFFSET = 2
BATCH = 4
SEQ = 2048


def setup_inputs(seed: int = 0) -> dict:
    key = jax.random.key(seed)
    k1, k2, k3 = jax.random.split(key, 3)
    token_ids = jax.random.randint(k1, (BATCH, SEQ), 0, VOCAB, dtype=jnp.int32)
    # learned parameters, truncated-normal-ish init with stddev=0.02
    token_table = jax.random.normal(k2, (VOCAB, HIDDEN), dtype=jnp.float32) * 0.02
    pos_table = jax.random.normal(k3, (MAX_SEQ + 2, HIDDEN), dtype=jnp.float32) * 0.02
    return {"token_ids": token_ids, "token_table": token_table, "pos_table": pos_table}


def reference(token_ids, token_table, pos_table):
    # token embedding lookup (gather)
    token_embeds = jnp.take(token_table, token_ids, axis=0)  # [B, S, H]
    # position ids: offset arange, as in the Keras module when position_ids is None
    seq_len = token_ids.shape[-1]
    position_ids = jnp.arange(POS_OFFSET, POS_OFFSET + seq_len, dtype=jnp.int32)[None, :]  # [1, S]
    pos_embeds = jnp.take(pos_table, position_ids, axis=0)  # [1, S, H]
    return token_embeds + pos_embeds.astype(token_embeds.dtype)

if __name__ == "__main__":
    import jax
    _d = setup_inputs()
    print(jax.jit(kernel)(*tuple(_d.values())))

</pallas_src>

<mosaic_0001>
#map = affine_map<(d0, d1) -> (0, 0)>
#map1 = affine_map<(d0, d1) -> (0, 0, 0)>
module attributes {stable_mosaic.version = 14 : i64} {
  func.func @_sc_body(%arg0: i32, %arg1: i32, %arg2: memref<32x384xi32, #tpu.memory_space<hbm>>, %arg3: memref<50272x2048xf32, #tpu.memory_space<hbm>>, %arg4: memref<2050x2048xf32, #tpu.memory_space<hbm>>, %arg5: memref<4x2048x2048xf32, #tpu.memory_space<hbm>>, %arg6: memref<384xi32, #tpu.memory_space<vmem>>, %arg7: memref<3x16x2048xf32, #tpu.memory_space<vmem>>, %arg8: memref<3x4x2048xf32, #tpu.memory_space<vmem>>, %arg9: memref<!tpu.dma_semaphore, #tpu.memory_space<semaphore_mem>>, %arg10: memref<!tpu.dma_semaphore, #tpu.memory_space<semaphore_mem>>, %arg11: memref<!tpu.dma_semaphore, #tpu.memory_space<semaphore_mem>>) attributes {dimension_semantics = [#tpu.dimension_semantics<core_parallel>, #tpu.dimension_semantics<subcore_parallel>], iteration_bounds = array<i64: 2, 16>, scalar_prefetch = 0 : i64, scratch_operands = 6 : i64, tpu.core_type = #tpu.core_type<sc_vector_subcore>, window_params = [{transform_indices = #map}, {transform_indices = #map}, {transform_indices = #map}, {transform_indices = #map1}]} {
    %mul3A = arith.constant 2 : i32
    %mul3A_0 = arith.muli %arg1, %mul3A : i32
    %add3A = arith.addi %mul3A_0, %arg0 : i32
    %mul3A_1 = arith.constant 64 : i32
    %mul3A_2 = arith.muli %add3A, %mul3A_1 : i32
    "tpu.region"() ({
      %run_scoped3A = tpu.sem_alloc : memref<!tpu.dma_semaphore, #tpu.memory_space<semaphore_mem>>
      %dma_start3A_242 = arith.constant 0 : i32
      %dma_start3A_243 = tpu.memref_slice %arg2[%add3A, %dma_start3A_242] : memref<32x384xi32, #tpu.memory_space<hbm>> -> memref<1x384xi32, #tpu.memory_space<hbm>>
      %dma_start3A_244 = tpu.memref_squeeze %dma_start3A_243 : memref<1x384xi32, #tpu.memory_space<hbm>> -> memref<384xi32, #tpu.memory_space<hbm>>
      %dma_start3A_245 = arith.constant 0 : i32
      %dma_start3A_246 = tpu.memref_slice %arg2[%add3A, %dma_start3A_245] : memref<32x384xi32, #tpu.memory_space<hbm>> -> memref<1x384xi32, #tpu.memory_space<hbm>>
      %dma_start3A_247 = tpu.memref_squeeze %dma_start3A_246 : memref<1x384xi32, #tpu.memory_space<hbm>> -> memref<384xi32, #tpu.memory_space<hbm>>
      tpu.enqueue_dma source(%dma_start3A_247 : memref<384xi32, #tpu.memory_space<hbm>>) target(%arg6 : memref<384xi32, #tpu.memory_space<vmem>>) target_semaphore(%run_scoped3A : memref<!tpu.dma_semaphore, #tpu.memory_space<semaphore_mem>>)
      %dma_wait3A_248 = arith.constant 0 : i32
      %dma_wait3A_249 = tpu.memref_slice %arg2[%add3A, %dma_wait3A_248] : memref<32x384xi32, #tpu.memory_space<hbm>> -> memref<1x384xi32, #tpu.memory_space<hbm>>
      %dma_wait3A_250 = tpu.memref_squeeze %dma_wait3A_249 : memref<1x384xi32, #tpu.memory_space<hbm>> -> memref<384xi32, #tpu.memory_space<hbm>>
      %dma_wait3A_251 = arith.constant 0 : i32
      %dma_wait3A_252 = tpu.memref_slice %arg2[%add3A, %dma_wait3A_251] : memref<32x384xi32, #tpu.memory_space<hbm>> -> memref<1x384xi32, #tpu.memory_space<hbm>>
      %dma_wait3A_253 = tpu.memref_squeeze %dma_wait3A_252 : memref<1x384xi32, #tpu.memory_space<hbm>> -> memref<384xi32, #tpu.memory_space<hbm>>
      tpu.wait_dma2 semaphore(%run_scoped3A : memref<!tpu.dma_semaphore, #tpu.memory_space<semaphore_mem>>) src(%dma_wait3A_253 : memref<384xi32, #tpu.memory_space<hbm>>) dst(%arg6 : memref<384xi32, #tpu.memory_space<vmem>>)
      tpu.yield
    }) : () -> ()
    %dma_start3A = arith.constant 0 : i32
    %dma_start3A_3 = arith.constant 0 : i32
    %dma_start3A_4 = arith.constant 0 : i32
    %dma_start3A_5 = tpu.memref_slice %arg7[%dma_start3A, %dma_start3A_3, %dma_start3A_4] : memref<3x16x2048xf32, #tpu.memory_space<vmem>> -> memref<1x16x2048xf32, #tpu.memory_space<vmem>>
    %dma_start3A_6 = tpu.memref_squeeze %dma_start3A_5 : memref<1x16x2048xf32, #tpu.memory_space<vmem>> -> memref<16x2048xf32, #tpu.memory_space<vmem>>
    %dma_start3A_7 = arith.constant 0 : i32
    %dma_start3A_8 = tpu.memref_slice %arg6[%dma_start3A_7] : memref<384xi32, #tpu.memory_space<vmem>> -> memref<16xi32, #tpu.memory_space<vmem>>
    %dma_start3A_9 = arith.constant 0 : i32
    %dma_start3A_10 = arith.constant 0 : i32
    %dma_start3A_11 = tpu.memref_slice %arg3[%dma_start3A_9, %dma_start3A_10] : memref<50272x2048xf32, #tpu.memory_space<hbm>> -> memref<50272x2048xf32, #tpu.memory_space<hbm>>
    tpu.enqueue_indirect_dma source(%dma_start3A_11 : memref<50272x2048xf32, #tpu.memory_space<hbm>>) target(%dma_start3A_6 : memref<16x2048xf32, #tpu.memory_space<vmem>>) offsets(%dma_start3A_8 : memref<16xi32, #tpu.memory_space<vmem>>) semaphore(%arg9 : memref<!tpu.dma_semaphore, #tpu.memory_space<semaphore_mem>>)
    %dma_start3A_12 = arith.constant 1 : i32
    %dma_start3A_13 = arith.constant 0 : i32
    %dma_start3A_14 = arith.constant 0 : i32
    %dma_start3A_15 = tpu.memref_slice %arg7[%dma_start3A_12, %dma_start3A_13, %dma_start3A_14] : memref<3x16x2048xf32, #tpu.memory_space<vmem>> -> memref<1x16x2048xf32, #tpu.memory_space<vmem>>
    %dma_start3A_16 = tpu.memref_squeeze %dma_start3A_15 : memref<1x16x2048xf32, #tpu.memory_space<vmem>> -> memref<16x2048xf32, #tpu.memory_space<vmem>>
    %dma_start3A_17 = arith.constant 24 : i32
    %dma_start3A_18 = tpu.memref_slice %arg6[%dma_start3A_17] : memref<384xi32, #tpu.memory_space<vmem>> -> memref<16xi32, #tpu.memory_space<vmem>>
    %dma_start3A_19 = arith.constant 0 : i32
    %dma_start3A_20 = arith.constant 0 : i32
    %dma_start3A_21 = tpu.memref_slice %arg3[%dma_start3A_19, %dma_start3A_20] : memref<50272x2048xf32, #tpu.memory_space<hbm>> -> memref<50272x2048xf32, #tpu.memory_space<hbm>>
    tpu.enqueue_indirect_dma source(%dma_start3A_21 : memref<50272x2048xf32, #tpu.memory_space<hbm>>) target(%dma_start3A_16 : memref<16x2048xf32, #tpu.memory_space<vmem>>) offsets(%dma_start3A_18 : memref<16xi32, #tpu.memory_space<vmem>>) semaphore(%arg9 : memref<!tpu.dma_semaphore, #tpu.memory_space<semaphore_mem>>)
    %dma_start3A_22 = arith.constant 2 : i32
    %dma_start3A_23 = arith.constant 0 : i32
    %dma_start3A_24 = arith.constant 0 : i32
    %dma_start3A_25 = tpu.memref_slice %arg7[%dma_start3A_22, %dma_start3A_23, %dma_start3A_24] : memref<3x16x2048xf32, #tpu.memory_space<vmem>> -> memref<1x16x2048xf32, #tpu.memory_space<vmem>>
    %dma_start3A_26 = tpu.memref_squeeze %dma_start3A_25 : memref<1x16x2048xf32, #tpu.memory_space<vmem>> -> memref<16x2048xf32, #tpu.memory_space<vmem>>
    %dma_start3A_27 = arith.constant 48 : i32
    %dma_start3A_28 = tpu.memref_slice %arg6[%dma_start3A_27] : memref<384xi32, #tpu.memory_space<vmem>> -> memref<16xi32, #tpu.memory_space<vmem>>
    %dma_start3A_29 = arith.constant 0 : i32
    %dma_start3A_30 = arith.constant 0 : i32
    %dma_start3A_31 = tpu.memref_slice %arg3[%dma_start3A_29, %dma_start3A_30] : memref<50272x2048xf32, #tpu.memory_space<hbm>> -> memref<50272x2048xf32, #tpu.memory_space<hbm>>
    tpu.enqueue_indirect_dma source(%dma_start3A_31 : memref<50272x2048xf32, #tpu.memory_space<hbm>>) target(%dma_start3A_26 : memref<16x2048xf32, #tpu.memory_space<vmem>>) offsets(%dma_start3A_28 : memref<16xi32, #tpu.memory_space<vmem>>) semaphore(%arg9 : memref<!tpu.dma_semaphore, #tpu.memory_space<semaphore_mem>>)
    %dma_start3A_32 = arith.constant 0 : i32
    %dma_start3A_33 = arith.constant 0 : i32
    %dma_start3A_34 = arith.constant 0 : i32
    %dma_start3A_35 = tpu.memref_slice %arg8[%dma_start3A_32, %dma_start3A_33, %dma_start3A_34] : memref<3x4x2048xf32, #tpu.memory_space<vmem>> -> memref<1x4x2048xf32, #tpu.memory_space<vmem>>
    %dma_start3A_36 = tpu.memref_squeeze %dma_start3A_35 : memref<1x4x2048xf32, #tpu.memory_space<vmem>> -> memref<4x2048xf32, #tpu.memory_space<vmem>>
    %dma_start3A_37 = arith.constant 16 : i32
    %dma_start3A_38 = tpu.memref_slice %arg6[%dma_start3A_37] : memref<384xi32, #tpu.memory_space<vmem>> -> memref<4xi32, #tpu.memory_space<vmem>>
    %dma_start3A_39 = arith.constant 0 : i32
    %dma_start3A_40 = arith.constant 0 : i32
    %dma_start3A_41 = tpu.memref_slice %arg4[%dma_start3A_39, %dma_start3A_40] : memref<2050x2048xf32, #tpu.memory_space<hbm>> -> memref<2050x2048xf32, #tpu.memory_space<hbm>>
    tpu.enqueue_indirect_dma source(%dma_start3A_41 : memref<2050x2048xf32, #tpu.memory_space<hbm>>) target(%dma_start3A_36 : memref<4x2048xf32, #tpu.memory_space<vmem>>) offsets(%dma_start3A_38 : memref<4xi32, #tpu.memory_space<vmem>>) semaphore(%arg10 : memref<!tpu.dma_semaphore, #tpu.memory_space<semaphore_mem>>)
    %dma_start3A_42 = arith.constant 1 : i32
    %dma_start3A_43 = arith.constant 0 : i32
    %dma_start3A_44 = arith.constant 0 : i32
    %dma_start3A_45 = tpu.memref_slice %arg8[%dma_start3A_42, %dma_start3A_43, %dma_start3A_44] : memref<3x4x2048xf32, #tpu.memory_space<vmem>> -> memref<1x4x2048xf32, #tpu.memory_space<vmem>>
    %dma_start3A_46 = tpu.memref_squeeze %dma_start3A_45 : memref<1x4x2048xf32, #tpu.memory_space<vmem>> -> memref<4x2048xf32, #tpu.memory_space<vmem>>
    %dma_start3A_47 = arith.constant 40 : i32
    %dma_start3A_48 = tpu.memref_slice %arg6[%dma_start3A_47] : memref<384xi32, #tpu.memory_space<vmem>> -> memref<4xi32, #tpu.memory_space<vmem>>
    %dma_start3A_49 = arith.constant 0 : i32
    %dma_start3A_50 = arith.constant 0 : i32
    %dma_start3A_51 = tpu.memref_slice %arg4[%dma_start3A_49, %dma_start3A_50] : memref<2050x2048xf32, #tpu.memory_space<hbm>> -> memref<2050x2048xf32, #tpu.memory_space<hbm>>
    tpu.enqueue_indirect_dma source(%dma_start3A_51 : memref<2050x2048xf32, #tpu.memory_space<hbm>>) target(%dma_start3A_46 : memref<4x2048xf32, #tpu.memory_space<vmem>>) offsets(%dma_start3A_48 : memref<4xi32, #tpu.memory_space<vmem>>) semaphore(%arg10 : memref<!tpu.dma_semaphore, #tpu.memory_space<semaphore_mem>>)
    %dma_start3A_52 = arith.constant 2 : i32
    %dma_start3A_53 = arith.constant 0 : i32
    %dma_start3A_54 = arith.constant 0 : i32
    %dma_start3A_55 = tpu.memref_slice %arg8[%dma_start3A_52, %dma_start3A_53, %dma_start3A_54] : memref<3x4x2048xf32, #tpu.memory_space<vmem>> -> memref<1x4x2048xf32, #tpu.memory_space<vmem>>
    %dma_start3A_56 = tpu.memref_squeeze %dma_start3A_55 : memref<1x4x2048xf32, #tpu.memory_space<vmem>> -> memref<4x2048xf32, #tpu.memory_space<vmem>>
    %dma_start3A_57 = arith.constant 64 : i32
    %dma_start3A_58 = tpu.memref_slice %arg6[%dma_start3A_57] : memref<384xi32, #tpu.memory_space<vmem>> -> memref<4xi32, #tpu.memory_space<vmem>>
    %dma_start3A_59 = arith.constant 0 : i32
    %dma_start3A_60 = arith.constant 0 : i32
    %dma_start3A_61 = tpu.memref_slice %arg4[%dma_start3A_59, %dma_start3A_60] : memref<2050x2048xf32, #tpu.memory_space<hbm>> -> memref<2050x2048xf32, #tpu.memory_space<hbm>>
    tpu.enqueue_indirect_dma source(%dma_start3A_61 : memref<2050x2048xf32, #tpu.memory_space<hbm>>) target(%dma_start3A_56 : memref<4x2048xf32, #tpu.memory_space<vmem>>) offsets(%dma_start3A_58 : memref<4xi32, #tpu.memory_space<vmem>>) semaphore(%arg10 : memref<!tpu.dma_semaphore, #tpu.memory_space<semaphore_mem>>)
    %scan3A = arith.constant 0 : i32
    %scan3A_62 = arith.constant 0 : i32
    %scan3A_63 = arith.constant 16 : i32
    %scan3A_64 = arith.addi %scan3A_62, %scan3A_63 : i32
    %scan3A_65 = arith.constant 1 : i32
    scf.for %scan3A_242 = %scan3A_62 to %scan3A_64 step %scan3A_65  : i32 {
      %rem3A = arith.constant 3 : i32
      %rem3A_243 = arith.remsi %scan3A_242, %rem3A : i32
      %add3A_244 = arith.constant 1 : i32
      %add3A_245 = arith.addi %scan3A_242, %add3A_244 : i32
      %rem3A_246 = arith.constant 3 : i32
      %rem3A_247 = arith.remsi %add3A_245, %rem3A_246 : i32
      %ge3A = arith.constant 2 : i32
      %ge3A_248 = arith.cmpi sge, %scan3A_242, %ge3A : i32
      %convert_element_type3A = arith.extui %ge3A_248 : i1 to i32
      %cond3A = arith.constant 0 : i32
      %cond3A_249 = arith.cmpi ne, %convert_element_type3A, %cond3A : i32
      scf.if %cond3A_249 {
        %dma_wait3A_391 = arith.constant 0 : i32
        %dma_wait3A_392 = arith.constant 0 : i32
        %dma_wait3A_393 = arith.constant 0 : i32
        %dma_wait3A_394 = tpu.memref_slice %arg7[%rem3A_247, %dma_wait3A_392, %dma_wait3A_393] : memref<3x16x2048xf32, #tpu.memory_space<vmem>> -> memref<1x16x2048xf32, #tpu.memory_space<vmem>>
        %dma_wait3A_395 = tpu.memref_squeeze %dma_wait3A_394 : memref<1x16x2048xf32, #tpu.memory_space<vmem>> -> memref<16x2048xf32, #tpu.memory_space<vmem>>
        %dma_wait3A_396 = arith.constant 0 : i32
        %dma_wait3A_397 = arith.constant 0 : i32
        %dma_wait3A_398 = tpu.memref_slice %dma_wait3A_395[%dma_wait3A_396, %dma_wait3A_397] : memref<16x2048xf32, #tpu.memory_space<vmem>> -> memref<4x2048xf32, #tpu.memory_space<vmem>>
        %dma_wait3A_399 = arith.constant 0 : i32
        %dma_wait3A_400 = tpu.memref_slice %arg5[%dma_wait3A_391, %mul3A_2, %dma_wait3A_399] : memref<4x2048x2048xf32, #tpu.memory_space<hbm>> -> memref<1x4x2048xf32, #tpu.memory_space<hbm>>
        %dma_wait3A_401 = tpu.memref_squeeze %dma_wait3A_400 : memref<1x4x2048xf32, #tpu.memory_space<hbm>> -> memref<4x2048xf32, #tpu.memory_space<hbm>>
        %dma_wait3A_402 = arith.constant 0 : i32
        %dma_wait3A_403 = tpu.memref_slice %arg5[%dma_wait3A_391, %mul3A_2, %dma_wait3A_402] : memref<4x2048x2048xf32, #tpu.memory_space<hbm>> -> memref<1x4x2048xf32, #tpu.memory_space<hbm>>
        %dma_wait3A_404 = tpu.memref_squeeze %dma_wait3A_403 : memref<1x4x2048xf32, #tpu.memory_space<hbm>> -> memref<4x2048xf32, #tpu.memory_space<hbm>>
        %dma_wait3A_405 = arith.constant 0 : i32
        %dma_wait3A_406 = arith.constant 0 : i32
        %dma_wait3A_407 = tpu.memref_slice %arg7[%rem3A_247, %dma_wait3A_405, %dma_wait3A_406] : memref<3x16x2048xf32, #tpu.memory_space<vmem>> -> memref<1x16x2048xf32, #tpu.memory_space<vmem>>
        %dma_wait3A_408 = tpu.memref_squeeze %dma_wait3A_407 : memref<1x16x2048xf32, #tpu.memory_space<vmem>> -> memref<16x2048xf32, #tpu.memory_space<vmem>>
        %dma_wait3A_409 = arith.constant 0 : i32
        %dma_wait3A_410 = arith.constant 0 : i32
        %dma_wait3A_411 = tpu.memref_slice %dma_wait3A_408[%dma_wait3A_409, %dma_wait3A_410] : memref<16x2048xf32, #tpu.memory_space<vmem>> -> memref<4x2048xf32, #tpu.memory_space<vmem>>
        tpu.wait_dma2 semaphore(%arg11 : memref<!tpu.dma_semaphore, #tpu.memory_space<semaphore_mem>>) src(%dma_wait3A_411 : memref<4x2048xf32, #tpu.memory_space<vmem>>) dst(%dma_wait3A_404 : memref<4x2048xf32, #tpu.memory_space<hbm>>)
        %dma_wait3A_412 = arith.constant 1 : i32
        %dma_wait3A_413 = arith.constant 0 : i32
        %dma_wait3A_414 = arith.constant 0 : i32
        %dma_wait3A_415 = tpu.memref_slice %arg7[%rem3A_247, %dma_wait3A_413, %dma_wait3A_414] : memref<3x16x2048xf32, #tpu.memory_space<vmem>> -> memref<1x16x2048xf32, #tpu.memory_space<vmem>>
        %dma_wait3A_416 = tpu.memref_squeeze %dma_wait3A_415 : memref<1x16x2048xf32, #tpu.memory_space<vmem>> -> memref<16x2048xf32, #tpu.memory_space<vmem>>
        %dma_wait3A_417 = arith.constant 4 : i32
        %dma_wait3A_418 = arith.constant 0 : i32
        %dma_wait3A_419 = tpu.memref_slice %dma_wait3A_416[%dma_wait3A_417, %dma_wait3A_418] : memref<16x2048xf32, #tpu.memory_space<vmem>> -> memref<4x2048xf32, #tpu.memory_space<vmem>>
        %dma_wait3A_420 = arith.constant 0 : i32
        %dma_wait3A_421 = tpu.memref_slice %arg5[%dma_wait3A_412, %mul3A_2, %dma_wait3A_420] : memref<4x2048x2048xf32, #tpu.memory_space<hbm>> -> memref<1x4x2048xf32, #tpu.memory_space<hbm>>
        %dma_wait3A_422 = tpu.memref_squeeze %dma_wait3A_421 : memref<1x4x2048xf32, #tpu.memory_space<hbm>> -> memref<4x2048xf32, #tpu.memory_space<hbm>>
        %dma_wait3A_423 = arith.constant 0 : i32
        %dma_wait3A_424 = tpu.memref_slice %arg5[%dma_wait3A_412, %mul3A_2, %dma_wait3A_423] : memref<4x2048x2048xf32, #tpu.memory_space<hbm>> -> memref<1x4x2048xf32, #tpu.memory_space<hbm>>
        %dma_wait3A_425 = tpu.memref_squeeze %dma_wait3A_424 : memref<1x4x2048xf32, #tpu.memory_space<hbm>> -> memref<4x2048xf32, #tpu.memory_space<hbm>>
        %dma_wait3A_426 = arith.constant 0 : i32
        %dma_wait3A_427 = arith.constant 0 : i32
        %dma_wait3A_428 = tpu.memref_slice %arg7[%rem3A_247, %dma_wait3A_426, %dma_wait3A_427] : memref<3x16x2048xf32, #tpu.memory_space<vmem>> -> memref<1x16x2048xf32, #tpu.memory_space<vmem>>
        %dma_wait3A_429 = tpu.memref_squeeze %dma_wait3A_428 : memref<1x16x2048xf32, #tpu.memory_space<vmem>> -> memref<16x2048xf32, #tpu.memory_space<vmem>>
        %dma_wait3A_430 = arith.constant 4 : i32
        %dma_wait3A_431 = arith.constant 0 : i32
        %dma_wait3A_432 = tpu.memref_slice %dma_wait3A_429[%dma_wait3A_430, %dma_wait3A_431] : memref<16x2048xf32, #tpu.memory_space<vmem>> -> memref<4x2048xf32, #tpu.memory_space<vmem>>
        tpu.wait_dma2 semaphore(%arg11 : memref<!tpu.dma_semaphore, #tpu.memory_space<semaphore_mem>>) src(%dma_wait3A_432 : memref<4x2048xf32, #tpu.memory_space<vmem>>) dst(%dma_wait3A_425 : memref<4x2048xf32, #tpu.memory_space<hbm>>)
        %dma_wait3A_433 = arith.constant 2 : i32
        %dma_wait3A_434 = arith.constant 0 : i32
        %dma_wait3A_435 = arith.constant 0 : i32
        %dma_wait3A_436 = tpu.memref_slice %arg7[%rem3A_247, %dma_wait3A_434, %dma_wait3A_435] : memref<3x16x2048xf32, #tpu.memory_space<vmem>> -> memref<1x16x2048xf32, #tpu.memory_space<vmem>>
        %dma_wait3A_437 = tpu.memref_squeeze %dma_wait3A_436 : memref<1x16x2048xf32, #tpu.memory_space<vmem>> -> memref<16x2048xf32, #tpu.memory_space<vmem>>
        %dma_wait3A_438 = arith.constant 8 : i32
        %dma_wait3A_439 = arith.constant 0 : i32
        %dma_wait3A_440 = tpu.memref_slice %dma_wait3A_437[%dma_wait3A_438, %dma_wait3A_439] : memref<16x2048xf32, #tpu.memory_space<vmem>> -> memref<4x2048xf32, #tpu.memory_space<vmem>>
        %dma_wait3A_441 = arith.constant 0 : i32
        %dma_wait3A_442 = tpu.memref_slice %arg5[%dma_wait3A_433, %mul3A_2, %dma_wait3A_441] : memref<4x2048x2048xf32, #tpu.memory_space<hbm>> -> memref<1x4x2048xf32, #tpu.memory_space<hbm>>
        %dma_wait3A_443 = tpu.memref_squeeze %dma_wait3A_442 : memref<1x4x2048xf32, #tpu.memory_space<hbm>> -> memref<4x2048xf32, #tpu.memory_space<hbm>>
        %dma_wait3A_444 = arith.constant 0 : i32
        %dma_wait3A_445 = tpu.memref_slice %arg5[%dma_wait3A_433, %mul3A_2, %dma_wait3A_444] : memref<4x2048x2048xf32, #tpu.memory_space<hbm>> -> memref<1x4x2048xf32, #tpu.memory_space<hbm>>
        %dma_wait3A_446 = tpu.memref_squeeze %dma_wait3A_445 : memref<1x4x2048xf32, #tpu.memory_space<hbm>> -> memref<4x2048xf32, #tpu.memory_space<hbm>>
        %dma_wait3A_447 = arith.constant 0 : i32
        %dma_wait3A_448 = arith.constant 0 : i32
        %dma_wait3A_449 = tpu.memref_slice %arg7[%rem3A_247, %dma_wait3A_447, %dma_wait3A_448] : memref<3x16x2048xf32, #tpu.memory_space<vmem>> -> memref<1x16x2048xf32, #tpu.memory_space<vmem>>
        %dma_wait3A_450 = tpu.memref_squeeze %dma_wait3A_449 : memref<1x16x2048xf32, #tpu.memory_space<vmem>> -> memref<16x2048xf32, #tpu.memory_space<vmem>>
        %dma_wait3A_451 = arith.constant 8 : i32
        %dma_wait3A_452 = arith.constant 0 : i32
        %dma_wait3A_453 = tpu.memref_slice %dma_wait3A_450[%dma_wait3A_451, %dma_wait3A_452] : memref<16x2048xf32, #tpu.memory_space<vmem>> -> memref<4x2048xf32, #tpu.memory_space<vmem>>
        tpu.wait_dma2 semaphore(%arg11 : memref<!tpu.dma_semaphore, #tpu.memory_space<semaphore_mem>>) src(%dma_wait3A_453 : memref<4x2048xf32, #tpu.memory_space<vmem>>) dst(%dma_wait3A_446 : memref<4x2048xf32, #tpu.memory_space<hbm>>)
        %dma_wait3A_454 = arith.constant 3 : i32
        %dma_wait3A_455 = arith.constant 0 : i32
        %dma_wait3A_456 = arith.constant 0 : i32
        %dma_wait3A_457 = tpu.memref_slice %arg7[%rem3A_247, %dma_wait3A_455, %dma_wait3A_456] : memref<3x16x2048xf32, #tpu.memory_space<vmem>> -> memref<1x16x2048xf32, #tpu.memory_space<vmem>>
        %dma_wait3A_458 = tpu.memref_squeeze %dma_wait3A_457 : memref<1x16x2048xf32, #tpu.memory_space<vmem>> -> memref<16x2048xf32, #tpu.memory_space<vmem>>
        %dma_wait3A_459 = arith.constant 12 : i32
        %dma_wait3A_460 = arith.constant 0 : i32
        %dma_wait3A_461 = tpu.memref_slice %dma_wait3A_458[%dma_wait3A_459, %dma_wait3A_460] : memref<16x2048xf32, #tpu.memory_space<vmem>> -> memref<4x2048xf32, #tpu.memory_space<vmem>>
        %dma_wait3A_462 = arith.constant 0 : i32
        %dma_wait3A_463 = tpu.memref_slice %arg5[%dma_wait3A_454, %mul3A_2, %dma_wait3A_462] : memref<4x2048x2048xf32, #tpu.memory_space<hbm>> -> memref<1x4x2048xf32, #tpu.memory_space<hbm>>
        %dma_wait3A_464 = tpu.memref_squeeze %dma_wait3A_463 : memref<1x4x2048xf32, #tpu.memory_space<hbm>> -> memref<4x2048xf32, #tpu.memory_space<hbm>>
        %dma_wait3A_465 = arith.constant 0 : i32
        %dma_wait3A_466 = tpu.memref_slice %arg5[%dma_wait3A_454, %mul3A_2, %dma_wait3A_465] : memref<4x2048x2048xf32, #tpu.memory_space<hbm>> -> memref<1x4x2048xf32, #tpu.memory_space<hbm>>
        %dma_wait3A_467 = tpu.memref_squeeze %dma_wait3A_466 : memref<1x4x2048xf32, #tpu.memory_space<hbm>> -> memref<4x2048xf32, #tpu.memory_space<hbm>>
        %dma_wait3A_468 = arith.constant 0 : i32
        %dma_wait3A_469 = arith.constant 0 : i32
        %dma_wait3A_470 = tpu.memref_slice %arg7[%rem3A_247, %dma_wait3A_468, %dma_wait3A_469] : memref<3x16x2048xf32, #tpu.memory_space<vmem>> -> memref<1x16x2048xf32, #tpu.memory_space<vmem>>
        %dma_wait3A_471 = tpu.memref_squeeze %dma_wait3A_470 : memref<1x16x2048xf32, #tpu.memory_space<vmem>> -> memref<16x2048xf32, #tpu.memory_space<vmem>>
        %dma_wait3A_472 = arith.constant 12 : i32
        %dma_wait3A_473 = arith.constant 0 : i32
        %dma_wait3A_474 = tpu.memref_slice %dma_wait3A_471[%dma_wait3A_472, %dma_wait3A_473] : memref<16x2048xf32, #tpu.memory_space<vmem>> -> memref<4x2048xf32, #tpu.memory_space<vmem>>
        tpu.wait_dma2 semaphore(%arg11 : memref<!tpu.dma_semaphore, #tpu.memory_space<semaphore_mem>>) src(%dma_wait3A_474 : memref<4x2048xf32, #tpu.memory_space<vmem>>) dst(%dma_wait3A_467 : memref<4x2048xf32, #tpu.memory_space<hbm>>)
      } else {
      }
      %ge3A_250 = arith.constant 2 : i32
      %ge3A_251 = arith.cmpi sge, %scan3A_242, %ge3A_250 : i32
      %add3A_252 = arith.constant 1 : i32
      %add3A_253 = arith.addi %scan3A_242, %add3A_252 : i32
      %lt3A = arith.constant 16 : i32
      %lt3A_254 = arith.cmpi slt, %add3A_253, %lt3A : i32
      %and3A = arith.andi %ge3A_251, %lt3A_254 : i1
      %convert_element_type3A_255 = arith.extui %and3A : i1 to i32
      %cond3A_256 = arith.constant 0 : i32
      %cond3A_257 = arith.cmpi ne, %convert_element_type3A_255, %cond3A_256 : i32
      scf.if %cond3A_257 {
        %add3A_391 = arith.constant 1 : i32
        %add3A_392 = arith.addi %scan3A_242, %add3A_391 : i32
        %mul3A_393 = arith.constant 24 : i32
        %mul3A_394 = arith.muli %add3A_392, %mul3A_393 : i32
        %dma_start3A_395 = arith.constant 0 : i32
        %dma_start3A_396 = arith.constant 0 : i32
        %dma_start3A_397 = tpu.memref_slice %arg7[%rem3A_247, %dma_start3A_395, %dma_start3A_396] : memref<3x16x2048xf32, #tpu.memory_space<vmem>> -> memref<1x16x2048xf32, #tpu.memory_space<vmem>>
        %dma_start3A_398 = tpu.memref_squeeze %dma_start3A_397 : memref<1x16x2048xf32, #tpu.memory_space<vmem>> -> memref<16x2048xf32, #tpu.memory_space<vmem>>
        %dma_start3A_399 = tpu.memref_slice %arg6[%mul3A_394] : memref<384xi32, #tpu.memory_space<vmem>> -> memref<16xi32, #tpu.memory_space<vmem>>
        %dma_start3A_400 = arith.constant 0 : i32
        %dma_start3A_401 = arith.constant 0 : i32
        %dma_start3A_402 = tpu.memref_slice %arg3[%dma_start3A_400, %dma_start3A_401] : memref<50272x2048xf32, #tpu.memory_space<hbm>> -> memref<50272x2048xf32, #tpu.memory_space<hbm>>
        tpu.enqueue_indirect_dma source(%dma_start3A_402 : memref<50272x2048xf32, #tpu.memory_space<hbm>>) target(%dma_start3A_398 : memref<16x2048xf32, #tpu.memory_space<vmem>>) offsets(%dma_start3A_399 : memref<16xi32, #tpu.memory_space<vmem>>) semaphore(%arg9 : memref<!tpu.dma_semaphore, #tpu.memory_space<semaphore_mem>>)
      } else {
      }
      %dma_wait3A_258 = arith.constant 0 : i32
      %dma_wait3A_259 = arith.constant 0 : i32
      %dma_wait3A_260 = tpu.memref_slice %arg7[%rem3A_243, %dma_wait3A_258, %dma_wait3A_259] : memref<3x16x2048xf32, #tpu.memory_space<vmem>> -> memref<1x16x2048xf32, #tpu.memory_space<vmem>>
      %dma_wait3A_261 = tpu.memref_squeeze %dma_wait3A_260 : memref<1x16x2048xf32, #tpu.memory_space<vmem>> -> memref<16x2048xf32, #tpu.memory_space<vmem>>
      %dma_wait3A_262 = arith.constant 0 : i32
      %dma_wait3A_263 = arith.constant 0 : i32
      %dma_wait3A_264 = tpu.memref_slice %arg3[%dma_wait3A_262, %dma_wait3A_263] : memref<50272x2048xf32, #tpu.memory_space<hbm>> -> memref<16x2048xf32, #tpu.memory_space<hbm>>
      %dma_wait3A_265 = arith.constant 0 : i32
      %dma_wait3A_266 = arith.constant 0 : i32
      %dma_wait3A_267 = tpu.memref_slice %arg7[%rem3A_243, %dma_wait3A_265, %dma_wait3A_266] : memref<3x16x2048xf32, #tpu.memory_space<vmem>> -> memref<1x16x2048xf32, #tpu.memory_space<vmem>>
      %dma_wait3A_268 = tpu.memref_squeeze %dma_wait3A_267 : memref<1x16x2048xf32, #tpu.memory_space<vmem>> -> memref<16x2048xf32, #tpu.memory_space<vmem>>
      %dma_wait3A_269 = arith.constant 0 : i32
      %dma_wait3A_270 = arith.constant 0 : i32
      %dma_wait3A_271 = tpu.memref_slice %arg3[%dma_wait3A_269, %dma_wait3A_270] : memref<50272x2048xf32, #tpu.memory_space<hbm>> -> memref<16x2048xf32, #tpu.memory_space<hbm>>
      tpu.wait_dma2 semaphore(%arg9 : memref<!tpu.dma_semaphore, #tpu.memory_space<semaphore_mem>>) src(%dma_wait3A_271 : memref<16x2048xf32, #tpu.memory_space<hbm>>) dst(%dma_wait3A_268 : memref<16x2048xf32, #tpu.memory_space<vmem>>)
      %dma_wait3A_272 = arith.constant 0 : i32
      %dma_wait3A_273 = arith.constant 0 : i32
      %dma_wait3A_274 = tpu.memref_slice %arg8[%rem3A_243, %dma_wait3A_272, %dma_wait3A_273] : memref<3x4x2048xf32, #tpu.memory_space<vmem>> -> memref<1x4x2048xf32, #tpu.memory_space<vmem>>
      %dma_wait3A_275 = tpu.memref_squeeze %dma_wait3A_274 : memref<1x4x2048xf32, #tpu.memory_space<vmem>> -> memref<4x2048xf32, #tpu.memory_space<vmem>>
      %dma_wait3A_276 = arith.constant 0 : i32
      %dma_wait3A_277 = arith.constant 0 : i32
      %dma_wait3A_278 = tpu.memref_slice %arg4[%dma_wait3A_276, %dma_wait3A_277] : memref<2050x2048xf32, #tpu.memory_space<hbm>> -> memref<4x2048xf32, #tpu.memory_space<hbm>>
      %dma_wait3A_279 = arith.constant 0 : i32
      %dma_wait3A_280 = arith.constant 0 : i32
      %dma_wait3A_281 = tpu.memref_slice %arg8[%rem3A_243, %dma_wait3A_279, %dma_wait3A_280] : memref<3x4x2048xf32, #tpu.memory_space<vmem>> -> memref<1x4x2048xf32, #tpu.memory_space<vmem>>
      %dma_wait3A_282 = tpu.memref_squeeze %dma_wait3A_281 : memref<1x4x2048xf32, #tpu.memory_space<vmem>> -> memref<4x2048xf32, #tpu.memory_space<vmem>>
      %dma_wait3A_283 = arith.constant 0 : i32
      %dma_wait3A_284 = arith.constant 0 : i32
      %dma_wait3A_285 = tpu.memref_slice %arg4[%dma_wait3A_283, %dma_wait3A_284] : memref<2050x2048xf32, #tpu.memory_space<hbm>> -> memref<4x2048xf32, #tpu.memory_space<hbm>>
      tpu.wait_dma2 semaphore(%arg10 : memref<!tpu.dma_semaphore, #tpu.memory_space<semaphore_mem>>) src(%dma_wait3A_285 : memref<4x2048xf32, #tpu.memory_space<hbm>>) dst(%dma_wait3A_282 : memref<4x2048xf32, #tpu.memory_space<vmem>>)
      %parallel_loop3A = arith.constant 0 : i32
      %parallel_loop3A_286 = arith.constant 512 : i32
      %parallel_loop3A_287 = arith.constant 1 : i32
      scf.for %parallel_loop3A_391 = %parallel_loop3A to %parallel_loop3A_286 step %parallel_loop3A_287  : i32 {
        %parallel_loop3A_392 = arith.constant 128 : i32
        %parallel_loop3A_393 = arith.divsi %parallel_loop3A_391, %parallel_loop3A_392 : i32
        %parallel_loop3A_394 = arith.constant 0 : i32
        %parallel_loop3A_395 = arith.cmpi sgt, %parallel_loop3A_391, %parallel_loop3A_394 : i32
        %parallel_loop3A_396 = arith.extui %parallel_loop3A_395 : i1 to i32
        %parallel_loop3A_397 = arith.constant 0 : i32
        %parallel_loop3A_398 = arith.cmpi slt, %parallel_loop3A_391, %parallel_loop3A_397 : i32
        %parallel_loop3A_399 = arith.extui %parallel_loop3A_398 : i1 to i32
        %parallel_loop3A_400 = arith.subi %parallel_loop3A_396, %parallel_loop3A_399 : i32
        %parallel_loop3A_401 = arith.constant 0 : i32
        %parallel_loop3A_402 = arith.cmpi sgt, %parallel_loop3A_392, %parallel_loop3A_401 : i32
        %parallel_loop3A_403 = arith.extui %parallel_loop3A_402 : i1 to i32
        %parallel_loop3A_404 = arith.constant 0 : i32
        %parallel_loop3A_405 = arith.cmpi slt, %parallel_loop3A_392, %parallel_loop3A_404 : i32
        %parallel_loop3A_406 = arith.extui %parallel_loop3A_405 : i1 to i32
        %parallel_loop3A_407 = arith.subi %parallel_loop3A_403, %parallel_loop3A_406 : i32
        %parallel_loop3A_408 = arith.cmpi ne, %parallel_loop3A_400, %parallel_loop3A_407 : i32
        %parallel_loop3A_409 = arith.remsi %parallel_loop3A_391, %parallel_loop3A_392 : i32
        %parallel_loop3A_410 = arith.constant 0 : i32
        %parallel_loop3A_411 = arith.cmpi ne, %parallel_loop3A_409, %parallel_loop3A_410 : i32
        %parallel_loop3A_412 = arith.andi %parallel_loop3A_408, %parallel_loop3A_411 : i1
        %parallel_loop3A_413 = arith.constant 1 : i32
        %parallel_loop3A_414 = arith.subi %parallel_loop3A_393, %parallel_loop3A_413 : i32
        %parallel_loop3A_415 = arith.select %parallel_loop3A_412, %parallel_loop3A_414, %parallel_loop3A_393 : i32
        %parallel_loop3A_416 = arith.constant 128 : i32
        %parallel_loop3A_417 = arith.constant 0 : i32
        %parallel_loop3A_418 = arith.cmpi eq, %parallel_loop3A_416, %parallel_loop3A_417 : i32
        %parallel_loop3A_419 = arith.constant 1 : i32
        %parallel_loop3A_420 = arith.select %parallel_loop3A_418, %parallel_loop3A_419, %parallel_loop3A_416 : i32
        %parallel_loop3A_421 = arith.remsi %parallel_loop3A_391, %parallel_loop3A_420 : i32
        %parallel_loop3A_422 = arith.constant 0 : i32
        %parallel_loop3A_423 = arith.cmpi ne, %parallel_loop3A_421, %parallel_loop3A_422 : i32
        %parallel_loop3A_424 = arith.constant 0 : i32
        %parallel_loop3A_425 = arith.cmpi slt, %parallel_loop3A_421, %parallel_loop3A_424 : i32
        %parallel_loop3A_426 = arith.constant 0 : i32
        %parallel_loop3A_427 = arith.cmpi slt, %parallel_loop3A_420, %parallel_loop3A_426 : i32
        %parallel_loop3A_428 = arith.xori %parallel_loop3A_425, %parallel_loop3A_427 : i1
        %parallel_loop3A_429 = arith.andi %parallel_loop3A_428, %parallel_loop3A_423 : i1
        %parallel_loop3A_430 = arith.addi %parallel_loop3A_421, %parallel_loop3A_420 : i32
        %parallel_loop3A_431 = arith.select %parallel_loop3A_429, %parallel_loop3A_430, %parallel_loop3A_421 : i32
        %parallel_loop3A_432 = arith.constant 16 : i32
        %parallel_loop3A_433 = arith.muli %parallel_loop3A_431, %parallel_loop3A_432 : i32
        %parallel_loop3A_434 = arith.constant 0 : i32
        %parallel_loop3A_435 = arith.constant 0 : i32
        %parallel_loop3A_436 = tpu.memref_slice %arg8[%rem3A_243, %parallel_loop3A_434, %parallel_loop3A_435] : memref<3x4x2048xf32, #tpu.memory_space<vmem>> -> memref<1x4x2048xf32, #tpu.memory_space<vmem>>
        %parallel_loop3A_437 = tpu.memref_squeeze %parallel_loop3A_436 : memref<1x4x2048xf32, #tpu.memory_space<vmem>> -> memref<4x2048xf32, #tpu.memory_space<vmem>>
        %parallel_loop3A_438 = arith.index_cast %parallel_loop3A_415 : i32 to index
        %parallel_loop3A_439 = arith.index_cast %parallel_loop3A_433 : i32 to index
        %parallel_loop3A_440 = tpu.vector_load %parallel_loop3A_437[%parallel_loop3A_438, %parallel_loop3A_439] {strides = array<i32>} : memref<4x2048xf32, #tpu.memory_space<vmem>>, vector<1x16xf32>,
        %parallel_loop3A_441 = vector.shape_cast %parallel_loop3A_440 : vector<1x16xf32> to vector<16xf32>
        %parallel_loop3A_442 = arith.constant 0 : i32
        %parallel_loop3A_443 = arith.addi %parallel_loop3A_442, %parallel_loop3A_415 : i32
        %parallel_loop3A_444 = arith.constant 0 : i32
        %parallel_loop3A_445 = arith.constant 0 : i32
        %parallel_loop3A_446 = tpu.memref_slice %arg7[%rem3A_243, %parallel_loop3A_444, %parallel_loop3A_445] : memref<3x16x2048xf32, #tpu.memory_space<vmem>> -> memref<1x16x2048xf32, #tpu.memory_space<vmem>>
        %parallel_loop3A_447 = tpu.memref_squeeze %parallel_loop3A_446 : memref<1x16x2048xf32, #tpu.memory_space<vmem>> -> memref<16x2048xf32, #tpu.memory_space<vmem>>
        %parallel_loop3A_448 = arith.index_cast %parallel_loop3A_443 : i32 to index
        %parallel_loop3A_449 = arith.index_cast %parallel_loop3A_433 : i32 to index
        %parallel_loop3A_450 = tpu.vector_load %parallel_loop3A_447[%parallel_loop3A_448, %parallel_loop3A_449] {strides = array<i32>} : memref<16x2048xf32, #tpu.memory_space<vmem>>, vector<1x16xf32>,
        %parallel_loop3A_451 = vector.shape_cast %parallel_loop3A_450 : vector<1x16xf32> to vector<16xf32>
        %parallel_loop3A_452 = arith.addf %parallel_loop3A_451, %parallel_loop3A_441 : vector<16xf32>
        %parallel_loop3A_453 = arith.constant 0 : i32
        %parallel_loop3A_454 = arith.constant 0 : i32
        %parallel_loop3A_455 = tpu.memref_slice %arg7[%rem3A_243, %parallel_loop3A_453, %parallel_loop3A_454] : memref<3x16x2048xf32, #tpu.memory_space<vmem>> -> memref<1x16x2048xf32, #tpu.memory_space<vmem>>
        %parallel_loop3A_456 = tpu.memref_squeeze %parallel_loop3A_455 : memref<1x16x2048xf32, #tpu.memory_space<vmem>> -> memref<16x2048xf32, #tpu.memory_space<vmem>>
        %parallel_loop3A_457 = arith.index_cast %parallel_loop3A_443 : i32 to index
        %parallel_loop3A_458 = arith.index_cast %parallel_loop3A_433 : i32 to index
        %parallel_loop3A_459 = tpu.vector_load %parallel_loop3A_456[%parallel_loop3A_457, %parallel_loop3A_458] {strides = array<i32>} : memref<16x2048xf32, #tpu.memory_space<vmem>>, vector<1x16xf32>,
        %parallel_loop3A_460 = vector.shape_cast %parallel_loop3A_459 : vector<1x16xf32> to vector<16xf32>
        %parallel_loop3A_461 = vector.shape_cast %parallel_loop3A_452 : vector<16xf32> to vector<1x16xf32>
        tpu.vector_store %parallel_loop3A_456[%parallel_loop3A_457, %parallel_loop3A_458], %parallel_loop3A_461 {strides = array<i32>} : memref<16x2048xf32, #tpu.memory_space<vmem>>, vector<1x16xf32>,
        %parallel_loop3A_462 = arith.constant 4 : i32
        %parallel_loop3A_463 = arith.addi %parallel_loop3A_462, %parallel_loop3A_415 : i32
        %parallel_loop3A_464 = arith.constant 0 : i32
        %parallel_loop3A_465 = arith.constant 0 : i32
        %parallel_loop3A_466 = tpu.memref_slice %arg7[%rem3A_243, %parallel_loop3A_464, %parallel_loop3A_465] : memref<3x16x2048xf32, #tpu.memory_space<vmem>> -> memref<1x16x2048xf32, #tpu.memory_space<vmem>>
        %parallel_loop3A_467 = tpu.memref_squeeze %parallel_loop3A_466 : memref<1x16x2048xf32, #tpu.memory_space<vmem>> -> memref<16x2048xf32, #tpu.memory_space<vmem>>
        %parallel_loop3A_468 = arith.index_cast %parallel_loop3A_463 : i32 to index
        %parallel_loop3A_469 = arith.index_cast %parallel_loop3A_433 : i32 to index
        %parallel_loop3A_470 = tpu.vector_load %parallel_loop3A_467[%parallel_loop3A_468, %parallel_loop3A_469] {strides = array<i32>} : memref<16x2048xf32, #tpu.memory_space<vmem>>, vector<1x16xf32>,
        %parallel_loop3A_471 = vector.shape_cast %parallel_loop3A_470 : vector<1x16xf32> to vector<16xf32>
        %parallel_loop3A_472 = arith.addf %parallel_loop3A_471, %parallel_loop3A_441 : vector<16xf32>
        %parallel_loop3A_473 = arith.constant 0 : i32
        %parallel_loop3A_474 = arith.constant 0 : i32
        %parallel_loop3A_475 = tpu.memref_slice %arg7[%rem3A_243, %parallel_loop3A_473, %parallel_loop3A_474] : memref<3x16x2048xf32, #tpu.memory_space<vmem>> -> memref<1x16x2048xf32, #tpu.memory_space<vmem>>
        %parallel_loop3A_476 = tpu.memref_squeeze %parallel_loop3A_475 : memref<1x16x2048xf32, #tpu.memory_space<vmem>> -> memref<16x2048xf32, #tpu.memory_space<vmem>>
        %parallel_loop3A_477 = arith.index_cast %parallel_loop3A_463 : i32 to index
        %parallel_loop3A_478 = arith.index_cast %parallel_loop3A_433 : i32 to index
        %parallel_loop3A_479 = tpu.vector_load %parallel_loop3A_476[%parallel_loop3A_477, %parallel_loop3A_478] {strides = array<i32>} : memref<16x2048xf32, #tpu.memory_space<vmem>>, vector<1x16xf32>,
        %parallel_loop3A_480 = vector.shape_cast %parallel_loop3A_479 : vector<1x16xf32> to vector<16xf32>
        %parallel_loop3A_481 = vector.shape_cast %parallel_loop3A_472 : vector<16xf32> to vector<1x16xf32>
        tpu.vector_store %parallel_loop3A_476[%parallel_loop3A_477, %parallel_loop3A_478], %parallel_loop3A_481 {strides = array<i32>} : memref<16x2048xf32, #tpu.memory_space<vmem>>, vector<1x16xf32>,
        %parallel_loop3A_482 = arith.constant 8 : i32
        %parallel_loop3A_483 = arith.addi %parallel_loop3A_482, %parallel_loop3A_415 : i32
        %parallel_loop3A_484 = arith.constant 0 : i32
        %parallel_loop3A_485 = arith.constant 0 : i32
        %parallel_loop3A_486 = tpu.memref_slice %arg7[%rem3A_243, %parallel_loop3A_484, %parallel_loop3A_485] : memref<3x16x2048xf32, #tpu.memory_space<vmem>> -> memref<1x16x2048xf32, #tpu.memory_space<vmem>>
        %parallel_loop3A_487 = tpu.memref_squeeze %parallel_loop3A_486 : memref<1x16x2048xf32, #tpu.memory_space<vmem>> -> memref<16x2048xf32, #tpu.memory_space<vmem>>
        %parallel_loop3A_488 = arith.index_cast %parallel_loop3A_483 : i32 to index
        %parallel_loop3A_489 = arith.index_cast %parallel_loop3A_433 : i32 to index
        %parallel_loop3A_490 = tpu.vector_load %parallel_loop3A_487[%parallel_loop3A_488, %parallel_loop3A_489] {strides = array<i32>} : memref<16x2048xf32, #tpu.memory_space<vmem>>, vector<1x16xf32>,
        %parallel_loop3A_491 = vector.shape_cast %parallel_loop3A_490 : vector<1x16xf32> to vector<16xf32>
        %parallel_loop3A_492 = arith.addf %parallel_loop3A_491, %parallel_loop3A_441 : vector<16xf32>
        %parallel_loop3A_493 = arith.constant 0 : i32
        %parallel_loop3A_494 = arith.constant 0 : i32
        %parallel_loop3A_495 = tpu.memref_slice %arg7[%rem3A_243, %parallel_loop3A_493, %parallel_loop3A_494] : memref<3x16x2048xf32, #tpu.memory_space<vmem>> -> memref<1x16x2048xf32, #tpu.memory_space<vmem>>
        %parallel_loop3A_496 = tpu.memref_squeeze %parallel_loop3A_495 : memref<1x16x2048xf32, #tpu.memory_space<vmem>> -> memref<16x2048xf32, #tpu.memory_space<vmem>>
        %parallel_loop3A_497 = arith.index_cast %parallel_loop3A_483 : i32 to index
        %parallel_loop3A_498 = arith.index_cast %parallel_loop3A_433 : i32 to index
        %parallel_loop3A_499 = tpu.vector_load %parallel_loop3A_496[%parallel_loop3A_497, %parallel_loop3A_498] {strides = array<i32>} : memref<16x2048xf32, #tpu.memory_space<vmem>>, vector<1x16xf32>,
        %parallel_loop3A_500 = vector.shape_cast %parallel_loop3A_499 : vector<1x16xf32> to vector<16xf32>
        %parallel_loop3A_501 = vector.shape_cast %parallel_loop3A_492 : vector<16xf32> to vector<1x16xf32>
        tpu.vector_store %parallel_loop3A_496[%parallel_loop3A_497, %parallel_loop3A_498], %parallel_loop3A_501 {strides = array<i32>} : memref<16x2048xf32, #tpu.memory_space<vmem>>, vector<1x16xf32>,
        %parallel_loop3A_502 = arith.constant 12 : i32
        %parallel_loop3A_503 = arith.addi %parallel_loop3A_502, %parallel_loop3A_415 : i32
        %parallel_loop3A_504 = arith.constant 0 : i32
        %parallel_loop3A_505 = arith.constant 0 : i32
        %parallel_loop3A_506 = tpu.memref_slice %arg7[%rem3A_243, %parallel_loop3A_504, %parallel_loop3A_505] : memref<3x16x2048xf32, #tpu.memory_space<vmem>> -> memref<1x16x2048xf32, #tpu.memory_space<vmem>>
        %parallel_loop3A_507 = tpu.memref_squeeze %parallel_loop3A_506 : memref<1x16x2048xf32, #tpu.memory_space<vmem>> -> memref<16x2048xf32, #tpu.memory_space<vmem>>
        %parallel_loop3A_508 = arith.index_cast %parallel_loop3A_503 : i32 to index
        %parallel_loop3A_509 = arith.index_cast %parallel_loop3A_433 : i32 to index
        %parallel_loop3A_510 = tpu.vector_load %parallel_loop3A_507[%parallel_loop3A_508, %parallel_loop3A_509] {strides = array<i32>} : memref<16x2048xf32, #tpu.memory_space<vmem>>, vector<1x16xf32>,
        %parallel_loop3A_511 = vector.shape_cast %parallel_loop3A_510 : vector<1x16xf32> to vector<16xf32>
        %parallel_loop3A_512 = arith.addf %parallel_loop3A_511, %parallel_loop3A_441 : vector<16xf32>
        %parallel_loop3A_513 = arith.constant 0 : i32
        %parallel_loop3A_514 = arith.constant 0 : i32
        %parallel_loop3A_515 = tpu.memref_slice %arg7[%rem3A_243, %parallel_loop3A_513, %parallel_loop3A_514] : memref<3x16x2048xf32, #tpu.memory_space<vmem>> -> memref<1x16x2048xf32, #tpu.memory_space<vmem>>
        %parallel_loop3A_516 = tpu.memref_squeeze %parallel_loop3A_515 : memref<1x16x2048xf32, #tpu.memory_space<vmem>> -> memref<16x2048xf32, #tpu.memory_space<vmem>>
        %parallel_loop3A_517 = arith.index_cast %parallel_loop3A_503 : i32 to index
        %parallel_loop3A_518 = arith.index_cast %parallel_loop3A_433 : i32 to index
        %parallel_loop3A_519 = tpu.vector_load %parallel_loop3A_516[%parallel_loop3A_517, %parallel_loop3A_518] {strides = array<i32>} : memref<16x2048xf32, #tpu.memory_space<vmem>>, vector<1x16xf32>,
        %parallel_loop3A_520 = vector.shape_cast %parallel_loop3A_519 : vector<1x16xf32> to vector<16xf32>
        %parallel_loop3A_521 = vector.shape_cast %parallel_loop3A_512 : vector<16xf32> to vector<1x16xf32>
        tpu.vector_store %parallel_loop3A_516[%parallel_loop3A_517, %parallel_loop3A_518], %parallel_loop3A_521 {strides = array<i32>} : memref<16x2048xf32, #tpu.memory_space<vmem>>, vector<1x16xf32>,
      } {sc.loop_unroll_factor = 4 : i64, sc.parallel_access}
      %mul3A_288 = arith.constant 4 : i32
      %mul3A_289 = arith.muli %scan3A_242, %mul3A_288 : i32
      %add3A_290 = arith.addi %mul3A_2, %mul3A_289 : i32
      %dma_start3A_291 = arith.constant 0 : i32
      %dma_start3A_292 = arith.constant 0 : i32
      %dma_start3A_293 = arith.constant 0 : i32
      %dma_start3A_294 = tpu.memref_slice %arg7[%rem3A_243, %dma_start3A_292, %dma_start3A_293] : memref<3x16x2048xf32, #tpu.memory_space<vmem>> -> memref<1x16x2048xf32, #tpu.memory_space<vmem>>
      %dma_start3A_295 = tpu.memref_squeeze %dma_start3A_294 : memref<1x16x2048xf32, #tpu.memory_space<vmem>> -> memref<16x2048xf32, #tpu.memory_space<vmem>>
      %dma_start3A_296 = arith.constant 0 : i32
      %dma_start3A_297 = arith.constant 0 : i32
      %dma_start3A_298 = tpu.memref_slice %dma_start3A_295[%dma_start3A_296, %dma_start3A_297] : memref<16x2048xf32, #tpu.memory_space<vmem>> -> memref<4x2048xf32, #tpu.memory_space<vmem>>
      %dma_start3A_299 = arith.constant 0 : i32
      %dma_start3A_300 = tpu.memref_slice %arg5[%dma_start3A_291, %add3A_290, %dma_start3A_299] : memref<4x2048x2048xf32, #tpu.memory_space<hbm>> -> memref<1x4x2048xf32, #tpu.memory_space<hbm>>
      %dma_start3A_301 = tpu.memref_squeeze %dma_start3A_300 : memref<1x4x2048xf32, #tpu.memory_space<hbm>> -> memref<4x2048xf32, #tpu.memory_space<hbm>>
      %dma_start3A_302 = arith.constant 0 : i32
      %dma_start3A_303 = tpu.memref_slice %arg5[%dma_start3A_291, %add3A_290, %dma_start3A_302] : memref<4x2048x2048xf32, #tpu.memory_space<hbm>> -> memref<1x4x2048xf32, #tpu.memory_space<hbm>>
      %dma_start3A_304 = tpu.memref_squeeze %dma_start3A_303 : memref<1x4x2048xf32, #tpu.memory_space<hbm>> -> memref<4x2048xf32, #tpu.memory_space<hbm>>
      %dma_start3A_305 = arith.constant 0 : i32
      %dma_start3A_306 = arith.constant 0 : i32
      %dma_start3A_307 = tpu.memref_slice %arg7[%rem3A_243, %dma_start3A_305, %dma_start3A_306] : memref<3x16x2048xf32, #tpu.memory_space<vmem>> -> memref<1x16x2048xf32, #tpu.memory_space<vmem>>
      %dma_start3A_308 = tpu.memref_squeeze %dma_start3A_307 : memref<1x16x2048xf32, #tpu.memory_space<vmem>> -> memref<16x2048xf32, #tpu.memory_space<vmem>>
      %dma_start3A_309 = arith.constant 0 : i32
      %dma_start3A_310 = arith.constant 0 : i32
      %dma_start3A_311 = tpu.memref_slice %dma_start3A_308[%dma_start3A_309, %dma_start3A_310] : memref<16x2048xf32, #tpu.memory_space<vmem>> -> memref<4x2048xf32, #tpu.memory_space<vmem>>
      tpu.enqueue_dma source(%dma_start3A_311 : memref<4x2048xf32, #tpu.memory_space<vmem>>) target(%dma_start3A_304 : memref<4x2048xf32, #tpu.memory_space<hbm>>) target_semaphore(%arg11 : memref<!tpu.dma_semaphore, #tpu.memory_space<semaphore_mem>>)
      %mul3A_312 = arith.constant 4 : i32
      %mul3A_313 = arith.muli %scan3A_242, %mul3A_312 : i32
      %add3A_314 = arith.addi %mul3A_2, %mul3A_313 : i32
      %dma_start3A_315 = arith.constant 1 : i32
      %dma_start3A_316 = arith.constant 0 : i32
      %dma_start3A_317 = arith.constant 0 : i32
      %dma_start3A_318 = tpu.memref_slice %arg7[%rem3A_243, %dma_start3A_316, %dma_start3A_317] : memref<3x16x2048xf32, #tpu.memory_space<vmem>> -> memref<1x16x2048xf32, #tpu.memory_space<vmem>>
      %dma_start3A_319 = tpu.memref_squeeze %dma_start3A_318 : memref<1x16x2048xf32, #tpu.memory_space<vmem>> -> memref<16x2048xf32, #tpu.memory_space<vmem>>
      %dma_start3A_320 = arith.constant 4 : i32
      %dma_start3A_321 = arith.constant 0 : i32
      %dma_start3A_322 = tpu.memref_slice %dma_start3A_319[%dma_start3A_320, %dma_start3A_321] : memref<16x2048xf32, #tpu.memory_space<vmem>> -> memref<4x2048xf32, #tpu.memory_space<vmem>>
      %dma_start3A_323 = arith.constant 0 : i32
      %dma_start3A_324 = tpu.memref_slice %arg5[%dma_start3A_315, %add3A_314, %dma_start3A_323] : memref<4x2048x2048xf32, #tpu.memory_space<hbm>> -> memref<1x4x2048xf32, #tpu.memory_space<hbm>>
      %dma_start3A_325 = tpu.memref_squeeze %dma_start3A_324 : memref<1x4x2048xf32, #tpu.memory_space<hbm>> -> memref<4x2048xf32, #tpu.memory_space<hbm>>
      %dma_start3A_326 = arith.constant 0 : i32
      %dma_start3A_327 = tpu.memref_slice %arg5[%dma_start3A_315, %add3A_314, %dma_start3A_326] : memref<4x2048x2048xf32, #tpu.memory_space<hbm>> -> memref<1x4x2048xf32, #tpu.memory_space<hbm>>
      %dma_start3A_328 = tpu.memref_squeeze %dma_start3A_327 : memref<1x4x2048xf32, #tpu.memory_space<hbm>> -> memref<4x2048xf32, #tpu.memory_space<hbm>>
      %dma_start3A_329 = arith.constant 0 : i32
      %dma_start3A_330 = arith.constant 0 : i32
      %dma_start3A_331 = tpu.memref_slice %arg7[%rem3A_243, %dma_start3A_329, %dma_start3A_330] : memref<3x16x2048xf32, #tpu.memory_space<vmem>> -> memref<1x16x2048xf32, #tpu.memory_space<vmem>>
      %dma_start3A_332 = tpu.memref_squeeze %dma_start3A_331 : memref<1x16x2048xf32, #tpu.memory_space<vmem>> -> memref<16x2048xf32, #tpu.memory_space<vmem>>
      %dma_start3A_333 = arith.constant 4 : i32
      %dma_start3A_334 = arith.constant 0 : i32
      %dma_start3A_335 = tpu.memref_slice %dma_start3A_332[%dma_start3A_333, %dma_start3A_334] : memref<16x2048xf32, #tpu.memory_space<vmem>> -> memref<4x2048xf32, #tpu.memory_space<vmem>>
      tpu.enqueue_dma source(%dma_start3A_335 : memref<4x2048xf32, #tpu.memory_space<vmem>>) target(%dma_start3A_328 : memref<4x2048xf32, #tpu.memory_space<hbm>>) target_semaphore(%arg11 : memref<!tpu.dma_semaphore, #tpu.memory_space<semaphore_mem>>)
      %mul3A_336 = arith.constant 4 : i32
      %mul3A_337 = arith.muli %scan3A_242, %mul3A_336 : i32
      %add3A_338 = arith.addi %mul3A_2, %mul3A_337 : i32
      %dma_start3A_339 = arith.constant 2 : i32
      %dma_start3A_340 = arith.constant 0 : i32
      %dma_start3A_341 = arith.constant 0 : i32
      %dma_start3A_342 = tpu.memref_slice %arg7[%rem3A_243, %dma_start3A_340, %dma_start3A_341] : memref<3x16x2048xf32, #tpu.memory_space<vmem>> -> memref<1x16x2048xf32, #tpu.memory_space<vmem>>
      %dma_start3A_343 = tpu.memref_squeeze %dma_start3A_342 : memref<1x16x2048xf32, #tpu.memory_space<vmem>> -> memref<16x2048xf32, #tpu.memory_space<vmem>>
      %dma_start3A_344 = arith.constant 8 : i32
      %dma_start3A_345 = arith.constant 0 : i32
      %dma_start3A_346 = tpu.memref_slice %dma_start3A_343[%dma_start3A_344, %dma_start3A_345] : memref<16x2048xf32, #tpu.memory_space<vmem>> -> memref<4x2048xf32, #tpu.memory_space<vmem>>
      %dma_start3A_347 = arith.constant 0 : i32
      %dma_start3A_348 = tpu.memref_slice %arg5[%dma_start3A_339, %add3A_338, %dma_start3A_347] : memref<4x2048x2048xf32, #tpu.memory_space<hbm>> -> memref<1x4x2048xf32, #tpu.memory_space<hbm>>
      %dma_start3A_349 = tpu.memref_squeeze %dma_start3A_348 : memref<1x4x2048xf32, #tpu.memory_space<hbm>> -> memref<4x2048xf32, #tpu.memory_space<hbm>>
      %dma_start3A_350 = arith.constant 0 : i32
      %dma_start3A_351 = tpu.memref_slice %arg5[%dma_start3A_339, %add3A_338, %dma_start3A_350] : memref<4x2048x2048xf32, #tpu.memory_space<hbm>> -> memref<1x4x2048xf32, #tpu.memory_space<hbm>>
      %dma_start3A_352 = tpu.memref_squeeze %dma_start3A_351 : memref<1x4x2048xf32, #tpu.memory_space<hbm>> -> memref<4x2048xf32, #tpu.memory_space<hbm>>
      %dma_start3A_353 = arith.constant 0 : i32
      %dma_start3A_354 = arith.constant 0 : i32
      %dma_start3A_355 = tpu.memref_slice %arg7[%rem3A_243, %dma_start3A_353, %dma_start3A_354] : memref<3x16x2048xf32, #tpu.memory_space<vmem>> -> memref<1x16x2048xf32, #tpu.memory_space<vmem>>
      %dma_start3A_356 = tpu.memref_squeeze %dma_start3A_355 : memref<1x16x2048xf32, #tpu.memory_space<vmem>> -> memref<16x2048xf32, #tpu.memory_space<vmem>>
      %dma_start3A_357 = arith.constant 8 : i32
      %dma_start3A_358 = arith.constant 0 : i32
      %dma_start3A_359 = tpu.memref_slice %dma_start3A_356[%dma_start3A_357, %dma_start3A_358] : memref<16x2048xf32, #tpu.memory_space<vmem>> -> memref<4x2048xf32, #tpu.memory_space<vmem>>
      tpu.enqueue_dma source(%dma_start3A_359 : memref<4x2048xf32, #tpu.memory_space<vmem>>) target(%dma_start3A_352 : memref<4x2048xf32, #tpu.memory_space<hbm>>) target_semaphore(%arg11 : memref<!tpu.dma_semaphore, #tpu.memory_space<semaphore_mem>>)
      %mul3A_360 = arith.constant 4 : i32
      %mul3A_361 = arith.muli %scan3A_242, %mul3A_360 : i32
      %add3A_362 = arith.addi %mul3A_2, %mul3A_361 : i32
      %dma_start3A_363 = arith.constant 3 : i32
      %dma_start3A_364 = arith.constant 0 : i32
      %dma_start3A_365 = arith.constant 0 : i32
      %dma_start3A_366 = tpu.memref_slice %arg7[%rem3A_243, %dma_start3A_364, %dma_start3A_365] : memref<3x16x2048xf32, #tpu.memory_space<vmem>> -> memref<1x16x2048xf32, #tpu.memory_space<vmem>>
      %dma_start3A_367 = tpu.memref_squeeze %dma_start3A_366 : memref<1x16x2048xf32, #tpu.memory_space<vmem>> -> memref<16x2048xf32, #tpu.memory_space<vmem>>
      %dma_start3A_368 = arith.constant 12 : i32
      %dma_start3A_369 = arith.constant 0 : i32
      %dma_start3A_370 = tpu.memref_slice %dma_start3A_367[%dma_start3A_368, %dma_start3A_369] : memref<16x2048xf32, #tpu.memory_space<vmem>> -> memref<4x2048xf32, #tpu.memory_space<vmem>>
      %dma_start3A_371 = arith.constant 0 : i32
      %dma_start3A_372 = tpu.memref_slice %arg5[%dma_start3A_363, %add3A_362, %dma_start3A_371] : memref<4x2048x2048xf32, #tpu.memory_space<hbm>> -> memref<1x4x2048xf32, #tpu.memory_space<hbm>>
      %dma_start3A_373 = tpu.memref_squeeze %dma_start3A_372 : memref<1x4x2048xf32, #tpu.memory_space<hbm>> -> memref<4x2048xf32, #tpu.memory_space<hbm>>
      %dma_start3A_374 = arith.constant 0 : i32
      %dma_start3A_375 = tpu.memref_slice %arg5[%dma_start3A_363, %add3A_362, %dma_start3A_374] : memref<4x2048x2048xf32, #tpu.memory_space<hbm>> -> memref<1x4x2048xf32, #tpu.memory_space<hbm>>
      %dma_start3A_376 = tpu.memref_squeeze %dma_start3A_375 : memref<1x4x2048xf32, #tpu.memory_space<hbm>> -> memref<4x2048xf32, #tpu.memory_space<hbm>>
      %dma_start3A_377 = arith.constant 0 : i32
      %dma_start3A_378 = arith.constant 0 : i32
      %dma_start3A_379 = tpu.memref_slice %arg7[%rem3A_243, %dma_start3A_377, %dma_start3A_378] : memref<3x16x2048xf32, #tpu.memory_space<vmem>> -> memref<1x16x2048xf32, #tpu.memory_space<vmem>>
      %dma_start3A_380 = tpu.memref_squeeze %dma_start3A_379 : memref<1x16x2048xf32, #tpu.memory_space<vmem>> -> memref<16x2048xf32, #tpu.memory_space<vmem>>
      %dma_start3A_381 = arith.constant 12 : i32
      %dma_start3A_382 = arith.constant 0 : i32
      %dma_start3A_383 = tpu.memref_slice %dma_start3A_380[%dma_start3A_381, %dma_start3A_382] : memref<16x2048xf32, #tpu.memory_space<vmem>> -> memref<4x2048xf32, #tpu.memory_space<vmem>>
      tpu.enqueue_dma source(%dma_start3A_383 : memref<4x2048xf32, #tpu.memory_space<vmem>>) target(%dma_start3A_376 : memref<4x2048xf32, #tpu.memory_space<hbm>>) target_semaphore(%arg11 : memref<!tpu.dma_semaphore, #tpu.memory_space<semaphore_mem>>)
      %add3A_384 = arith.constant 3 : i32
      %add3A_385 = arith.addi %scan3A_242, %add3A_384 : i32
      %lt3A_386 = arith.constant 16 : i32
      %lt3A_387 = arith.cmpi slt, %add3A_385, %lt3A_386 : i32
      %convert_element_type3A_388 = arith.extui %lt3A_387 : i1 to i32
      %cond3A_389 = arith.constant 0 : i32
      %cond3A_390 = arith.cmpi ne, %convert_element_type3A_388, %cond3A_389 : i32
      scf.if %cond3A_390 {
        %add3A_391 = arith.constant 3 : i32
        %add3A_392 = arith.addi %scan3A_242, %add3A_391 : i32
        %mul3A_393 = arith.constant 24 : i32
        %mul3A_394 = arith.muli %add3A_392, %mul3A_393 : i32
        %add3A_395 = arith.constant 16 : i32
        %add3A_396 = arith.addi %mul3A_394, %add3A_395 : i32
        %dma_start3A_397 = arith.constant 0 : i32
        %dma_start3A_398 = arith.constant 0 : i32
        %dma_start3A_399 = tpu.memref_slice %arg8[%rem3A_243, %dma_start3A_397, %dma_start3A_398] : memref<3x4x2048xf32, #tpu.memory_space<vmem>> -> memref<1x4x2048xf32, #tpu.memory_space<vmem>>
        %dma_start3A_400 = tpu.memref_squeeze %dma_start3A_399 : memref<1x4x2048xf32, #tpu.memory_space<vmem>> -> memref<4x2048xf32, #tpu.memory_space<vmem>>
        %dma_start3A_401 = tpu.memref_slice %arg6[%add3A_396] : memref<384xi32, #tpu.memory_space<vmem>> -> memref<4xi32, #tpu.memory_space<vmem>>
        %dma_start3A_402 = arith.constant 0 : i32
        %dma_start3A_403 = arith.constant 0 : i32
        %dma_start3A_404 = tpu.memref_slice %arg4[%dma_start3A_402, %dma_start3A_403] : memref<2050x2048xf32, #tpu.memory_space<hbm>> -> memref<2050x2048xf32, #tpu.memory_space<hbm>>
        tpu.enqueue_indirect_dma source(%dma_start3A_404 : memref<2050x2048xf32, #tpu.memory_space<hbm>>) target(%dma_start3A_400 : memref<4x2048xf32, #tpu.memory_space<vmem>>) offsets(%dma_start3A_401 : memref<4xi32, #tpu.memory_space<vmem>>) semaphore(%arg10 : memref<!tpu.dma_semaphore, #tpu.memory_space<semaphore_mem>>)
      } else {
      }
    }
    %scan3A_66 = arith.constant 16 : i32
    %dma_wait3A = arith.constant 2 : i32
    %dma_wait3A_67 = arith.constant 0 : i32
    %dma_wait3A_68 = arith.constant 0 : i32
    %dma_wait3A_69 = arith.constant 0 : i32
    %dma_wait3A_70 = tpu.memref_slice %arg7[%dma_wait3A, %dma_wait3A_68, %dma_wait3A_69] : memref<3x16x2048xf32, #tpu.memory_space<vmem>> -> memref<1x16x2048xf32, #tpu.memory_space<vmem>>
    %dma_wait3A_71 = tpu.memref_squeeze %dma_wait3A_70 : memref<1x16x2048xf32, #tpu.memory_space<vmem>> -> memref<16x2048xf32, #tpu.memory_space<vmem>>
    %dma_wait3A_72 = arith.constant 0 : i32
    %dma_wait3A_73 = arith.constant 0 : i32
    %dma_wait3A_74 = tpu.memref_slice %dma_wait3A_71[%dma_wait3A_72, %dma_wait3A_73] : memref<16x2048xf32, #tpu.memory_space<vmem>> -> memref<4x2048xf32, #tpu.memory_space<vmem>>
    %dma_wait3A_75 = arith.constant 0 : i32
    %dma_wait3A_76 = tpu.memref_slice %arg5[%dma_wait3A_67, %mul3A_2, %dma_wait3A_75] : memref<4x2048x2048xf32, #tpu.memory_space<hbm>> -> memref<1x4x2048xf32, #tpu.memory_space<hbm>>
    %dma_wait3A_77 = tpu.memref_squeeze %dma_wait3A_76 : memref<1x4x2048xf32, #tpu.memory_space<hbm>> -> memref<4x2048xf32, #tpu.memory_space<hbm>>
    %dma_wait3A_78 = arith.constant 0 : i32
    %dma_wait3A_79 = tpu.memref_slice %arg5[%dma_wait3A_67, %mul3A_2, %dma_wait3A_78] : memref<4x2048x2048xf32, #tpu.memory_space<hbm>> -> memref<1x4x2048xf32, #tpu.memory_space<hbm>>
    %dma_wait3A_80 = tpu.memref_squeeze %dma_wait3A_79 : memref<1x4x2048xf32, #tpu.memory_space<hbm>> -> memref<4x2048xf32, #tpu.memory_space<hbm>>
    %dma_wait3A_81 = arith.constant 0 : i32
    %dma_wait3A_82 = arith.constant 0 : i32
    %dma_wait3A_83 = tpu.memref_slice %arg7[%dma_wait3A, %dma_wait3A_81, %dma_wait3A_82] : memref<3x16x2048xf32, #tpu.memory_space<vmem>> -> memref<1x16x2048xf32, #tpu.memory_space<vmem>>
    %dma_wait3A_84 = tpu.memref_squeeze %dma_wait3A_83 : memref<1x16x2048xf32, #tpu.memory_space<vmem>> -> memref<16x2048xf32, #tpu.memory_space<vmem>>
    %dma_wait3A_85 = arith.constant 0 : i32
    %dma_wait3A_86 = arith.constant 0 : i32
    %dma_wait3A_87 = tpu.memref_slice %dma_wait3A_84[%dma_wait3A_85, %dma_wait3A_86] : memref<16x2048xf32, #tpu.memory_space<vmem>> -> memref<4x2048xf32, #tpu.memory_space<vmem>>
    tpu.wait_dma2 semaphore(%arg11 : memref<!tpu.dma_semaphore, #tpu.memory_space<semaphore_mem>>) src(%dma_wait3A_87 : memref<4x2048xf32, #tpu.memory_space<vmem>>) dst(%dma_wait3A_80 : memref<4x2048xf32, #tpu.memory_space<hbm>>)
    %dma_wait3A_88 = arith.constant 2 : i32
    %dma_wait3A_89 = arith.constant 1 : i32
    %dma_wait3A_90 = arith.constant 0 : i32
    %dma_wait3A_91 = arith.constant 0 : i32
    %dma_wait3A_92 = tpu.memref_slice %arg7[%dma_wait3A_88, %dma_wait3A_90, %dma_wait3A_91] : memref<3x16x2048xf32, #tpu.memory_space<vmem>> -> memref<1x16x2048xf32, #tpu.memory_space<vmem>>
    %dma_wait3A_93 = tpu.memref_squeeze %dma_wait3A_92 : memref<1x16x2048xf32, #tpu.memory_space<vmem>> -> memref<16x2048xf32, #tpu.memory_space<vmem>>
    %dma_wait3A_94 = arith.constant 4 : i32
    %dma_wait3A_95 = arith.constant 0 : i32
    %dma_wait3A_96 = tpu.memref_slice %dma_wait3A_93[%dma_wait3A_94, %dma_wait3A_95] : memref<16x2048xf32, #tpu.memory_space<vmem>> -> memref<4x2048xf32, #tpu.memory_space<vmem>>
    %dma_wait3A_97 = arith.constant 0 : i32
    %dma_wait3A_98 = tpu.memref_slice %arg5[%dma_wait3A_89, %mul3A_2, %dma_wait3A_97] : memref<4x2048x2048xf32, #tpu.memory_space<hbm>> -> memref<1x4x2048xf32, #tpu.memory_space<hbm>>
    %dma_wait3A_99 = tpu.memref_squeeze %dma_wait3A_98 : memref<1x4x2048xf32, #tpu.memory_space<hbm>> -> memref<4x2048xf32, #tpu.memory_space<hbm>>
    %dma_wait3A_100 = arith.constant 0 : i32
    %dma_wait3A_101 = tpu.memref_slice %arg5[%dma_wait3A_89, %mul3A_2, %dma_wait3A_100] : memref<4x2048x2048xf32, #tpu.memory_space<hbm>> -> memref<1x4x2048xf32, #tpu.memory_space<hbm>>
    %dma_wait3A_102 = tpu.memref_squeeze %dma_wait3A_101 : memref<1x4x2048xf32, #tpu.memory_space<hbm>> -> memref<4x2048xf32, #tpu.memory_space<hbm>>
    %dma_wait3A_103 = arith.constant 0 : i32
    %dma_wait3A_104 = arith.constant 0 : i32
    %dma_wait3A_105 = tpu.memref_slice %arg7[%dma_wait3A_88, %dma_wait3A_103, %dma_wait3A_104] : memref<3x16x2048xf32, #tpu.memory_space<vmem>> -> memref<1x16x2048xf32, #tpu.memory_space<vmem>>
    %dma_wait3A_106 = tpu.memref_squeeze %dma_wait3A_105 : memref<1x16x2048xf32, #tpu.memory_space<vmem>> -> memref<16x2048xf32, #tpu.memory_space<vmem>>
    %dma_wait3A_107 = arith.constant 4 : i32
    %dma_wait3A_108 = arith.constant 0 : i32
    %dma_wait3A_109 = tpu.memref_slice %dma_wait3A_106[%dma_wait3A_107, %dma_wait3A_108] : memref<16x2048xf32, #tpu.memory_space<vmem>> -> memref<4x2048xf32, #tpu.memory_space<vmem>>
    tpu.wait_dma2 semaphore(%arg11 : memref<!tpu.dma_semaphore, #tpu.memory_space<semaphore_mem>>) src(%dma_wait3A_109 : memref<4x2048xf32, #tpu.memory_space<vmem>>) dst(%dma_wait3A_102 : memref<4x2048xf32, #tpu.memory_space<hbm>>)
    %dma_wait3A_110 = arith.constant 2 : i32
    %dma_wait3A_111 = arith.constant 2 : i32
    %dma_wait3A_112 = arith.constant 0 : i32
    %dma_wait3A_113 = arith.constant 0 : i32
    %dma_wait3A_114 = tpu.memref_slice %arg7[%dma_wait3A_110, %dma_wait3A_112, %dma_wait3A_113] : memref<3x16x2048xf32, #tpu.memory_space<vmem>> -> memref<1x16x2048xf32, #tpu.memory_space<vmem>>
    %dma_wait3A_115 = tpu.memref_squeeze %dma_wait3A_114 : memref<1x16x2048xf32, #tpu.memory_space<vmem>> -> memref<16x2048xf32, #tpu.memory_space<vmem>>
    %dma_wait3A_116 = arith.constant 8 : i32
    %dma_wait3A_117 = arith.constant 0 : i32
    %dma_wait3A_118 = tpu.memref_slice %dma_wait3A_115[%dma_wait3A_116, %dma_wait3A_117] : memref<16x2048xf32, #tpu.memory_space<vmem>> -> memref<4x2048xf32, #tpu.memory_space<vmem>>
    %dma_wait3A_119 = arith.constant 0 : i32
    %dma_wait3A_120 = tpu.memref_slice %arg5[%dma_wait3A_111, %mul3A_2, %dma_wait3A_119] : memref<4x2048x2048xf32, #tpu.memory_space<hbm>> -> memref<1x4x2048xf32, #tpu.memory_space<hbm>>
    %dma_wait3A_121 = tpu.memref_squeeze %dma_wait3A_120 : memref<1x4x2048xf32, #tpu.memory_space<hbm>> -> memref<4x2048xf32, #tpu.memory_space<hbm>>
    %dma_wait3A_122 = arith.constant 0 : i32
    %dma_wait3A_123 = tpu.memref_slice %arg5[%dma_wait3A_111, %mul3A_2, %dma_wait3A_122] : memref<4x2048x2048xf32, #tpu.memory_space<hbm>> -> memref<1x4x2048xf32, #tpu.memory_space<hbm>>
    %dma_wait3A_124 = tpu.memref_squeeze %dma_wait3A_123 : memref<1x4x2048xf32, #tpu.memory_space<hbm>> -> memref<4x2048xf32, #tpu.memory_space<hbm>>
    %dma_wait3A_125 = arith.constant 0 : i32
    %dma_wait3A_126 = arith.constant 0 : i32
    %dma_wait3A_127 = tpu.memref_slice %arg7[%dma_wait3A_110, %dma_wait3A_125, %dma_wait3A_126] : memref<3x16x2048xf32, #tpu.memory_space<vmem>> -> memref<1x16x2048xf32, #tpu.memory_space<vmem>>
    %dma_wait3A_128 = tpu.memref_squeeze %dma_wait3A_127 : memref<1x16x2048xf32, #tpu.memory_space<vmem>> -> memref<16x2048xf32, #tpu.memory_space<vmem>>
    %dma_wait3A_129 = arith.constant 8 : i32
    %dma_wait3A_130 = arith.constant 0 : i32
    %dma_wait3A_131 = tpu.memref_slice %dma_wait3A_128[%dma_wait3A_129, %dma_wait3A_130] : memref<16x2048xf32, #tpu.memory_space<vmem>> -> memref<4x2048xf32, #tpu.memory_space<vmem>>
    tpu.wait_dma2 semaphore(%arg11 : memref<!tpu.dma_semaphore, #tpu.memory_space<semaphore_mem>>) src(%dma_wait3A_131 : memref<4x2048xf32, #tpu.memory_space<vmem>>) dst(%dma_wait3A_124 : memref<4x2048xf32, #tpu.memory_space<hbm>>)
    %dma_wait3A_132 = arith.constant 2 : i32
    %dma_wait3A_133 = arith.constant 3 : i32
    %dma_wait3A_134 = arith.constant 0 : i32
    %dma_wait3A_135 = arith.constant 0 : i32
    %dma_wait3A_136 = tpu.memref_slice %arg7[%dma_wait3A_132, %dma_wait3A_134, %dma_wait3A_135] : memref<3x16x2048xf32, #tpu.memory_space<vmem>> -> memref<1x16x2048xf32, #tpu.memory_space<vmem>>
    %dma_wait3A_137 = tpu.memref_squeeze %dma_wait3A_136 : memref<1x16x2048xf32, #tpu.memory_space<vmem>> -> memref<16x2048xf32, #tpu.memory_space<vmem>>
    %dma_wait3A_138 = arith.constant 12 : i32
    %dma_wait3A_139 = arith.constant 0 : i32
    %dma_wait3A_140 = tpu.memref_slice %dma_wait3A_137[%dma_wait3A_138, %dma_wait3A_139] : memref<16x2048xf32, #tpu.memory_space<vmem>> -> memref<4x2048xf32, #tpu.memory_space<vmem>>
    %dma_wait3A_141 = arith.constant 0 : i32
    %dma_wait3A_142 = tpu.memref_slice %arg5[%dma_wait3A_133, %mul3A_2, %dma_wait3A_141] : memref<4x2048x2048xf32, #tpu.memory_space<hbm>> -> memref<1x4x2048xf32, #tpu.memory_space<hbm>>
    %dma_wait3A_143 = tpu.memref_squeeze %dma_wait3A_142 : memref<1x4x2048xf32, #tpu.memory_space<hbm>> -> memref<4x2048xf32, #tpu.memory_space<hbm>>
    %dma_wait3A_144 = arith.constant 0 : i32
    %dma_wait3A_145 = tpu.memref_slice %arg5[%dma_wait3A_133, %mul3A_2, %dma_wait3A_144] : memref<4x2048x2048xf32, #tpu.memory_space<hbm>> -> memref<1x4x2048xf32, #tpu.memory_space<hbm>>
    %dma_wait3A_146 = tpu.memref_squeeze %dma_wait3A_145 : memref<1x4x2048xf32, #tpu.memory_space<hbm>> -> memref<4x2048xf32, #tpu.memory_space<hbm>>
    %dma_wait3A_147 = arith.constant 0 : i32
    %dma_wait3A_148 = arith.constant 0 : i32
    %dma_wait3A_149 = tpu.memref_slice %arg7[%dma_wait3A_132, %dma_wait3A_147, %dma_wait3A_148] : memref<3x16x2048xf32, #tpu.memory_space<vmem>> -> memref<1x16x2048xf32, #tpu.memory_space<vmem>>
    %dma_wait3A_150 = tpu.memref_squeeze %dma_wait3A_149 : memref<1x16x2048xf32, #tpu.memory_space<vmem>> -> memref<16x2048xf32, #tpu.memory_space<vmem>>
    %dma_wait3A_151 = arith.constant 12 : i32
    %dma_wait3A_152 = arith.constant 0 : i32
    %dma_wait3A_153 = tpu.memref_slice %dma_wait3A_150[%dma_wait3A_151, %dma_wait3A_152] : memref<16x2048xf32, #tpu.memory_space<vmem>> -> memref<4x2048xf32, #tpu.memory_space<vmem>>
    tpu.wait_dma2 semaphore(%arg11 : memref<!tpu.dma_semaphore, #tpu.memory_space<semaphore_mem>>) src(%dma_wait3A_153 : memref<4x2048xf32, #tpu.memory_space<vmem>>) dst(%dma_wait3A_146 : memref<4x2048xf32, #tpu.memory_space<hbm>>)
    %dma_wait3A_154 = arith.constant 0 : i32
    %dma_wait3A_155 = arith.constant 0 : i32
    %dma_wait3A_156 = arith.constant 0 : i32
    %dma_wait3A_157 = arith.constant 0 : i32
    %dma_wait3A_158 = tpu.memref_slice %arg7[%dma_wait3A_154, %dma_wait3A_156, %dma_wait3A_157] : memref<3x16x2048xf32, #tpu.memory_space<vmem>> -> memref<1x16x2048xf32, #tpu.memory_space<vmem>>
    %dma_wait3A_159 = tpu.memref_squeeze %dma_wait3A_158 : memref<1x16x2048xf32, #tpu.memory_space<vmem>> -> memref<16x2048xf32, #tpu.memory_space<vmem>>
    %dma_wait3A_160 = arith.constant 0 : i32
    %dma_wait3A_161 = arith.constant 0 : i32
    %dma_wait3A_162 = tpu.memref_slice %dma_wait3A_159[%dma_wait3A_160, %dma_wait3A_161] : memref<16x2048xf32, #tpu.memory_space<vmem>> -> memref<4x2048xf32, #tpu.memory_space<vmem>>
    %dma_wait3A_163 = arith.constant 0 : i32
    %dma_wait3A_164 = tpu.memref_slice %arg5[%dma_wait3A_155, %mul3A_2, %dma_wait3A_163] : memref<4x2048x2048xf32, #tpu.memory_space<hbm>> -> memref<1x4x2048xf32, #tpu.memory_space<hbm>>
    %dma_wait3A_165 = tpu.memref_squeeze %dma_wait3A_164 : memref<1x4x2048xf32, #tpu.memory_space<hbm>> -> memref<4x2048xf32, #tpu.memory_space<hbm>>
    %dma_wait3A_166 = arith.constant 0 : i32
    %dma_wait3A_167 = tpu.memref_slice %arg5[%dma_wait3A_155, %mul3A_2, %dma_wait3A_166] : memref<4x2048x2048xf32, #tpu.memory_space<hbm>> -> memref<1x4x2048xf32, #tpu.memory_space<hbm>>
    %dma_wait3A_168 = tpu.memref_squeeze %dma_wait3A_167 : memref<1x4x2048xf32, #tpu.memory_space<hbm>> -> memref<4x2048xf32, #tpu.memory_space<hbm>>
    %dma_wait3A_169 = arith.constant 0 : i32
    %dma_wait3A_170 = arith.constant 0 : i32
    %dma_wait3A_171 = tpu.memref_slice %arg7[%dma_wait3A_154, %dma_wait3A_169, %dma_wait3A_170] : memref<3x16x2048xf32, #tpu.memory_space<vmem>> -> memref<1x16x2048xf32, #tpu.memory_space<vmem>>
    %dma_wait3A_172 = tpu.memref_squeeze %dma_wait3A_171 : memref<1x16x2048xf32, #tpu.memory_space<vmem>> -> memref<16x2048xf32, #tpu.memory_space<vmem>>
    %dma_wait3A_173 = arith.constant 0 : i32
    %dma_wait3A_174 = arith.constant 0 : i32
    %dma_wait3A_175 = tpu.memref_slice %dma_wait3A_172[%dma_wait3A_173, %dma_wait3A_174] : memref<16x2048xf32, #tpu.memory_space<vmem>> -> memref<4x2048xf32, #tpu.memory_space<vmem>>
    tpu.wait_dma2 semaphore(%arg11 : memref<!tpu.dma_semaphore, #tpu.memory_space<semaphore_mem>>) src(%dma_wait3A_175 : memref<4x2048xf32, #tpu.memory_space<vmem>>) dst(%dma_wait3A_168 : memref<4x2048xf32, #tpu.memory_space<hbm>>)
    %dma_wait3A_176 = arith.constant 0 : i32
    %dma_wait3A_177 = arith.constant 1 : i32
    %dma_wait3A_178 = arith.constant 0 : i32
    %dma_wait3A_179 = arith.constant 0 : i32
    %dma_wait3A_180 = tpu.memref_slice %arg7[%dma_wait3A_176, %dma_wait3A_178, %dma_wait3A_179] : memref<3x16x2048xf32, #tpu.memory_space<vmem>> -> memref<1x16x2048xf32, #tpu.memory_space<vmem>>
    %dma_wait3A_181 = tpu.memref_squeeze %dma_wait3A_180 : memref<1x16x2048xf32, #tpu.memory_space<vmem>> -> memref<16x2048xf32, #tpu.memory_space<vmem>>
    %dma_wait3A_182 = arith.constant 4 : i32
    %dma_wait3A_183 = arith.constant 0 : i32
    %dma_wait3A_184 = tpu.memref_slice %dma_wait3A_181[%dma_wait3A_182, %dma_wait3A_183] : memref<16x2048xf32, #tpu.memory_space<vmem>> -> memref<4x2048xf32, #tpu.memory_space<vmem>>
    %dma_wait3A_185 = arith.constant 0 : i32
    %dma_wait3A_186 = tpu.memref_slice %arg5[%dma_wait3A_177, %mul3A_2, %dma_wait3A_185] : memref<4x2048x2048xf32, #tpu.memory_space<hbm>> -> memref<1x4x2048xf32, #tpu.memory_space<hbm>>
    %dma_wait3A_187 = tpu.memref_squeeze %dma_wait3A_186 : memref<1x4x2048xf32, #tpu.memory_space<hbm>> -> memref<4x2048xf32, #tpu.memory_space<hbm>>
    %dma_wait3A_188 = arith.constant 0 : i32
    %dma_wait3A_189 = tpu.memref_slice %arg5[%dma_wait3A_177, %mul3A_2, %dma_wait3A_188] : memref<4x2048x2048xf32, #tpu.memory_space<hbm>> -> memref<1x4x2048xf32, #tpu.memory_space<hbm>>
    %dma_wait3A_190 = tpu.memref_squeeze %dma_wait3A_189 : memref<1x4x2048xf32, #tpu.memory_space<hbm>> -> memref<4x2048xf32, #tpu.memory_space<hbm>>
    %dma_wait3A_191 = arith.constant 0 : i32
    %dma_wait3A_192 = arith.constant 0 : i32
    %dma_wait3A_193 = tpu.memref_slice %arg7[%dma_wait3A_176, %dma_wait3A_191, %dma_wait3A_192] : memref<3x16x2048xf32, #tpu.memory_space<vmem>> -> memref<1x16x2048xf32, #tpu.memory_space<vmem>>
    %dma_wait3A_194 = tpu.memref_squeeze %dma_wait3A_193 : memref<1x16x2048xf32, #tpu.memory_space<vmem>> -> memref<16x2048xf32, #tpu.memory_space<vmem>>
    %dma_wait3A_195 = arith.constant 4 : i32
    %dma_wait3A_196 = arith.constant 0 : i32
    %dma_wait3A_197 = tpu.memref_slice %dma_wait3A_194[%dma_wait3A_195, %dma_wait3A_196] : memref<16x2048xf32, #tpu.memory_space<vmem>> -> memref<4x2048xf32, #tpu.memory_space<vmem>>
    tpu.wait_dma2 semaphore(%arg11 : memref<!tpu.dma_semaphore, #tpu.memory_space<semaphore_mem>>) src(%dma_wait3A_197 : memref<4x2048xf32, #tpu.memory_space<vmem>>) dst(%dma_wait3A_190 : memref<4x2048xf32, #tpu.memory_space<hbm>>)
    %dma_wait3A_198 = arith.constant 0 : i32
    %dma_wait3A_199 = arith.constant 2 : i32
    %dma_wait3A_200 = arith.constant 0 : i32
    %dma_wait3A_201 = arith.constant 0 : i32
    %dma_wait3A_202 = tpu.memref_slice %arg7[%dma_wait3A_198, %dma_wait3A_200, %dma_wait3A_201] : memref<3x16x2048xf32, #tpu.memory_space<vmem>> -> memref<1x16x2048xf32, #tpu.memory_space<vmem>>
    %dma_wait3A_203 = tpu.memref_squeeze %dma_wait3A_202 : memref<1x16x2048xf32, #tpu.memory_space<vmem>> -> memref<16x2048xf32, #tpu.memory_space<vmem>>
    %dma_wait3A_204 = arith.constant 8 : i32
    %dma_wait3A_205 = arith.constant 0 : i32
    %dma_wait3A_206 = tpu.memref_slice %dma_wait3A_203[%dma_wait3A_204, %dma_wait3A_205] : memref<16x2048xf32, #tpu.memory_space<vmem>> -> memref<4x2048xf32, #tpu.memory_space<vmem>>
    %dma_wait3A_207 = arith.constant 0 : i32
    %dma_wait3A_208 = tpu.memref_slice %arg5[%dma_wait3A_199, %mul3A_2, %dma_wait3A_207] : memref<4x2048x2048xf32, #tpu.memory_space<hbm>> -> memref<1x4x2048xf32, #tpu.memory_space<hbm>>
    %dma_wait3A_209 = tpu.memref_squeeze %dma_wait3A_208 : memref<1x4x2048xf32, #tpu.memory_space<hbm>> -> memref<4x2048xf32, #tpu.memory_space<hbm>>
    %dma_wait3A_210 = arith.constant 0 : i32
    %dma_wait3A_211 = tpu.memref_slice %arg5[%dma_wait3A_199, %mul3A_2, %dma_wait3A_210] : memref<4x2048x2048xf32, #tpu.memory_space<hbm>> -> memref<1x4x2048xf32, #tpu.memory_space<hbm>>
    %dma_wait3A_212 = tpu.memref_squeeze %dma_wait3A_211 : memref<1x4x2048xf32, #tpu.memory_space<hbm>> -> memref<4x2048xf32, #tpu.memory_space<hbm>>
    %dma_wait3A_213 = arith.constant 0 : i32
    %dma_wait3A_214 = arith.constant 0 : i32
    %dma_wait3A_215 = tpu.memref_slice %arg7[%dma_wait3A_198, %dma_wait3A_213, %dma_wait3A_214] : memref<3x16x2048xf32, #tpu.memory_space<vmem>> -> memref<1x16x2048xf32, #tpu.memory_space<vmem>>
    %dma_wait3A_216 = tpu.memref_squeeze %dma_wait3A_215 : memref<1x16x2048xf32, #tpu.memory_space<vmem>> -> memref<16x2048xf32, #tpu.memory_space<vmem>>
    %dma_wait3A_217 = arith.constant 8 : i32
    %dma_wait3A_218 = arith.constant 0 : i32
    %dma_wait3A_219 = tpu.memref_slice %dma_wait3A_216[%dma_wait3A_217, %dma_wait3A_218] : memref<16x2048xf32, #tpu.memory_space<vmem>> -> memref<4x2048xf32, #tpu.memory_space<vmem>>
    tpu.wait_dma2 semaphore(%arg11 : memref<!tpu.dma_semaphore, #tpu.memory_space<semaphore_mem>>) src(%dma_wait3A_219 : memref<4x2048xf32, #tpu.memory_space<vmem>>) dst(%dma_wait3A_212 : memref<4x2048xf32, #tpu.memory_space<hbm>>)
    %dma_wait3A_220 = arith.constant 0 : i32
    %dma_wait3A_221 = arith.constant 3 : i32
    %dma_wait3A_222 = arith.constant 0 : i32
    %dma_wait3A_223 = arith.constant 0 : i32
    %dma_wait3A_224 = tpu.memref_slice %arg7[%dma_wait3A_220, %dma_wait3A_222, %dma_wait3A_223] : memref<3x16x2048xf32, #tpu.memory_space<vmem>> -> memref<1x16x2048xf32, #tpu.memory_space<vmem>>
    %dma_wait3A_225 = tpu.memref_squeeze %dma_wait3A_224 : memref<1x16x2048xf32, #tpu.memory_space<vmem>> -> memref<16x2048xf32, #tpu.memory_space<vmem>>
    %dma_wait3A_226 = arith.constant 12 : i32
    %dma_wait3A_227 = arith.constant 0 : i32
    %dma_wait3A_228 = tpu.memref_slice %dma_wait3A_225[%dma_wait3A_226, %dma_wait3A_227] : memref<16x2048xf32, #tpu.memory_space<vmem>> -> memref<4x2048xf32, #tpu.memory_space<vmem>>
    %dma_wait3A_229 = arith.constant 0 : i32
    %dma_wait3A_230 = tpu.memref_slice %arg5[%dma_wait3A_221, %mul3A_2, %dma_wait3A_229] : memref<4x2048x2048xf32, #tpu.memory_space<hbm>> -> memref<1x4x2048xf32, #tpu.memory_space<hbm>>
    %dma_wait3A_231 = tpu.memref_squeeze %dma_wait3A_230 : memref<1x4x2048xf32, #tpu.memory_space<hbm>> -> memref<4x2048xf32, #tpu.memory_space<hbm>>
    %dma_wait3A_232 = arith.constant 0 : i32
    %dma_wait3A_233 = tpu.memref_slice %arg5[%dma_wait3A_221, %mul3A_2, %dma_wait3A_232] : memref<4x2048x2048xf32, #tpu.memory_space<hbm>> -> memref<1x4x2048xf32, #tpu.memory_space<hbm>>
    %dma_wait3A_234 = tpu.memref_squeeze %dma_wait3A_233 : memref<1x4x2048xf32, #tpu.memory_space<hbm>> -> memref<4x2048xf32, #tpu.memory_space<hbm>>
    %dma_wait3A_235 = arith.constant 0 : i32
    %dma_wait3A_236 = arith.constant 0 : i32
    %dma_wait3A_237 = tpu.memref_slice %arg7[%dma_wait3A_220, %dma_wait3A_235, %dma_wait3A_236] : memref<3x16x2048xf32, #tpu.memory_space<vmem>> -> memref<1x16x2048xf32, #tpu.memory_space<vmem>>
    %dma_wait3A_238 = tpu.memref_squeeze %dma_wait3A_237 : memref<1x16x2048xf32, #tpu.memory_space<vmem>> -> memref<16x2048xf32, #tpu.memory_space<vmem>>
    %dma_wait3A_239 = arith.constant 12 : i32
    %dma_wait3A_240 = arith.constant 0 : i32
    %dma_wait3A_241 = tpu.memref_slice %dma_wait3A_238[%dma_wait3A_239, %dma_wait3A_240] : memref<16x2048xf32, #tpu.memory_space<vmem>> -> memref<4x2048xf32, #tpu.memory_space<vmem>>
    tpu.wait_dma2 semaphore(%arg11 : memref<!tpu.dma_semaphore, #tpu.memory_space<semaphore_mem>>) src(%dma_wait3A_241 : memref<4x2048xf32, #tpu.memory_space<vmem>>) dst(%dma_wait3A_234 : memref<4x2048xf32, #tpu.memory_space<hbm>>)
    return
  }
}

</mosaic_0001>

<sc_bundles>
// kernel: _embed.3.cloned.1.call-start
scs
__scs_entry_jumppad:
0x0: {  	(pc) =	sbr.rel $0x88, $3  }
0x1: {  	(tag) =	ssettag $0x0;
	lr =	simm.s32 $0x1  }
0x2: {  	[smem:$0x3F9E] =	sst lr;
	_ =	strace $0xD0000000  }
0x3: {  	_ = 	snop  }
0x4: {  	_ = 	snop  }
0x5: {  	_ = 	snop  }
0x6: {  	_ = 	snop  }
0x7: {  	_ = 	snop  }
__scs_overlays_trampoline_lowered:
0x8: {  	[smem:$0x3FAD] =	sst s0  }
0x9: {  	[smem:$0x3FAE] =	sst s1  }
0xa: {  	[smem:$0x3FAF] =	sst s2  }
0xb: {  	[smem:$0x3FB0] =	sst s3  }
0xc: {  	[smem:$0x3FB1] =	sst s4  }
0xd: {  	[smem:$0x3FB2] =	sst s5  }
0xe: {  	[smem:$0x3FB3] =	sst s6  }
0xf: {  	[smem:$0x3FB4] =	sst s7  }
0x10: {  	[smem:$0x3FB5] =	sst s8  }
0x11: {  	[smem:$0x3FB6] =	sst s9;
	s0 =	simm.s32 @!p0 $0x0  }
0x12: {  	s1 =	sld [smem:$0x3F9C];
	s0 =	simm.s32 @p0 $0x1  }
0x13: {  	[smem:$0x3FB7] =	sst s0;
	s0 =	simm.s32 @!p1 $0x0  }
0x14: {  	s2 =	sld [smem:$0x3F9B];
	s0 =	simm.s32 @p1 $0x1  }
0x15: {  	[smem:$0x3FB8] =	sst s0;
	s0 =	simm.s32 @!p2 $0x0  }
0x16: {  	s3 =	sld [smem:$0x3FDB];
	s0 =	simm.s32 @p2 $0x1  }
0x17: {  	s4 =	simm.s32 $0x1BF5;
	[smem:$0x3FBA] =	sst s0  }
0x18: {  	s0 =	sld [smem:$0x3F9D];
	_ =	swait.ge [sflag:s4], $0x0  }
0x19: {  	s7 =	sld [smem:$0x3F9E]  }
0x1a: {  	s8 =	sadd.s32 $0xFFFFE003, lr  }
0x1b: {  	s9 =	sadd.s32 $0xFFFFFEF7, lr;
	s5 =	simm.s32 $0xFFFFFFFF;
	p2 =	slt.u32 s8, $0xFFFFF086  }
0x1c: {  	p1 =	slt.u32 s9, $0xF7A;
	s5 =	simm.s32 @!p2 $0x0  }
0x1d: {  	s5 =	simm.s32 @p1 $0x1;
	p0 =	seq.s32 s7, s2  }
0x1e: {  	s7 =	smul.u32 @!p0 $0xF7A, s2;
	p2 =	seq.s32 @!p0 s5, $0x0  }
0x1f: {  	s9 =	smul.u32 $0xF7A, s1;
	s8 =	simm.s32 @!p0 $0x1BF5;
	p2 =	por !p2, p0  }
0x20: {  	[sflag:s8] =	ssyncset.s32 @!p0 $0xFFFFF086;
	s6 =	sadd.s32 @!p0 s3, s7;
	s7 =	simm.s32 @!p0 $0x108  }
0x21: {  	s3 =	sadd.s32 s3, s9;
	s6 =	sadd.s32 @!p0 $0x88, s6;
	s7 =	simm.s32 @p2 $0x1082  }
0x22: {  	[simem:s7], [sflag:s8] =	dma.local @!p0 [hbm:s6], $0xF7A  }
0x23: {  	s9 =	sor.u32 $0xD0000000, s2;
	s6 =	simm.s32 $0x108;
	_ =	swait.ge @!p0 [sflag:s8], $0x0  }
0x24: {  	s3 =	sadd.s32 $0x88, s3;
	s6 =	simm.s32 @!p1 $0x1082;
	[sflag:s4] =	ssyncset.s32 $0xFFFFF086  }
0x25: {  	[simem:s6], [sflag:s4] =	dma.local [hbm:s3], $0xF7A  }
0x26: {  	[smem:$0x3F9E] =	sst s1;
	(tag) =	ssettag s2;
	_ =	strace s9  }
0x27: {  	s1 =	sld [smem:$0x3FAE]  }
0x28: {  	s2 =	sld [smem:$0x3FAF]  }
0x29: {  	s4 =	sld [smem:$0x3FB1]  }
0x2a: {  	p0 =	seq.s32 s5, $0x0;
	s5 =	sld [smem:$0x3FB2]  }
0x2b: {  	s6 =	sld [smem:$0x3FB3]  }
0x2c: {  	s7 =	sld [smem:$0x3FB4]  }
0x2d: {  	s3 =	simm.s32 $0x108;
	s8 =	sld [smem:$0x3FB5]  }
0x2e: {  	s3 =	simm.s32 @!p0 $0x1082;
	s9 =	sld [smem:$0x3FB6]  }
0x2f: {  	lr =	sadd.s32 s0, s3;
	s0 =	sld [smem:$0x3FAD]  }
0x30: {  	s3 =	sld [smem:$0x3FB0]  }
0x31: {  	[smem:$0x3FB9] =	sst s10  }
0x32: {  	s10 =	sld [smem:$0x3FB7];
	_ =	sdelay $0x3  }
0x33: {  	p0 =	seq.s32 s10, $0x1;
	s10 =	sld [smem:$0x3FB9];
	_ =	sdelay $0x3  }
0x34: {  	[smem:$0x3FB9] =	sst s10  }
0x35: {  	s10 =	sld [smem:$0x3FB8];
	_ =	sdelay $0x3  }
0x36: {  	p1 =	seq.s32 s10, $0x1;
	s10 =	sld [smem:$0x3FB9];
	_ =	sdelay $0x3  }
0x37: {  	[smem:$0x3FB9] =	sst s10  }
0x38: {  	s10 =	sld [smem:$0x3FBA]  }
0x39: {  	_ = 	snop;
	(pc) =	sbr.ind lr, $3  }
0x3a: {  	_ = 	snop  }
0x3b: {  	_ = 	snop  }
0x3c: {  	p2 =	seq.s32 s10, $0x1;
	s10 =	sld [smem:$0x3FB9]  }
0x3d: {  	_ =	shalt  }
0x3e: {  	_ =	shalt  }
0x3f: {  	_ =	shalt  }
0x40: {  	_ =	shalt  }
0x41: {  	_ =	shalt  }
0x42: {  	_ =	shalt  }
0x43: {  	_ =	shalt  }
0x44: {  	_ =	shalt  }
0x45: {  	_ =	shalt  }
0x46: {  	_ =	shalt  }
0x47: {  	_ =	shalt  }
0x48: {  	_ =	shalt  }
0x49: {  	_ =	shalt  }
0x4a: {  	_ =	shalt  }
0x4b: {  	_ =	shalt  }
0x4c: {  	_ =	shalt  }
0x4d: {  	_ =	shalt  }
0x4e: {  	_ =	shalt  }
0x4f: {  	_ =	shalt  }
0x50: {  	_ =	shalt  }
0x51: {  	_ =	shalt  }
0x52: {  	_ =	shalt  }
0x53: {  	_ =	shalt  }
0x54: {  	_ =	shalt  }
0x55: {  	_ =	shalt  }
0x56: {  	_ =	shalt  }
0x57: {  	_ =	shalt  }
0x58: {  	_ =	shalt  }
0x59: {  	_ =	shalt  }
0x5a: {  	_ =	shalt  }
0x5b: {  	_ =	shalt  }
0x5c: {  	_ =	shalt  }
0x5d: {  	_ =	shalt  }
0x5e: {  	_ =	shalt  }
0x5f: {  	_ =	shalt  }
0x60: {  	_ =	shalt  }
0x61: {  	_ =	shalt  }
0x62: {  	_ =	shalt  }
0x63: {  	_ =	shalt  }
0x64: {  	_ =	shalt  }
0x65: {  	_ =	shalt  }
0x66: {  	_ =	shalt  }
0x67: {  	_ =	shalt  }
0x68: {  	_ =	shalt  }
0x69: {  	_ =	shalt  }
0x6a: {  	_ =	shalt  }
0x6b: {  	_ =	shalt  }
0x6c: {  	_ =	shalt  }
0x6d: {  	_ =	shalt  }
0x6e: {  	_ =	shalt  }
0x6f: {  	_ =	shalt  }
0x70: {  	_ =	shalt  }
0x71: {  	_ =	shalt  }
0x72: {  	_ =	shalt  }
0x73: {  	_ =	shalt  }
0x74: {  	_ =	shalt  }
0x75: {  	_ =	shalt  }
0x76: {  	_ =	shalt  }
0x77: {  	_ =	shalt  }
0x78: {  	_ =	shalt  }
0x79: {  	_ =	shalt  }
0x7a: {  	_ =	shalt  }
0x7b: {  	_ =	shalt  }
0x7c: {  	_ =	shalt  }
0x7d: {  	_ =	shalt  }
0x7e: {  	_ =	shalt  }
0x7f: {  	_ =	shalt  }
0x80: {  	_ =	shalt  }
0x81: {  	_ =	shalt  }
0x82: {  	_ =	shalt  }
0x83: {  	_ =	shalt  }
0x84: {  	_ =	shalt  }
0x85: {  	_ =	shalt  }
0x86: {  	_ =	shalt  }
0x87: {  	_ =	shalt  }
.Lfunc_end0:
.L_simem_size_0:
called_computation_lowered:
.L_overlay_start_0:
0x88: {  	s2 =	sld [smem:$0x3FD9]  }
0x89: {  	s3 =	sld [smem:$0x3FFE];
	_ =	sdelay $0x1  }
0x8a: {  	s1 =	srdreg.scid  }
0x8b: {  	s0 =	sand.u32 $0x1, s1  }
0x8c: {  	s18 =	sshll.u32 s0, $0xA;
	s2 =	sadd.s32 s3, s2  }
0x8d: {  	s2 =	sadd.s32 s2, s18  }
0x8e: {  	[smem:$0x3FC5] =	sst s2  }
0x8f: {  	_ = 	snop  }
0x90: {  	s2 =	sld [smem:$0x3FC9]  }
0x91: {  	s19 =	sld [smem:$0x3FC8]  }
0x92: {  	s4 =	sld [smem:$0x3FC7]  }
0x93: {  	s5 =	sld [smem:$0x3FD0];
	(tm) =	ssettm $0x1  }
0x94: {  	s6 =	sld [smem:$0x3FFB];
	_ =	sdelay $0x3  }
0x95: {  	_ =	strace s6  }
0x96: {  	s6 =	sld [smem:$0x3FFC];
	_ =	sdelay $0x3  }
0x97: {  	_ =	strace s6  }
0x98: {  	s6 =	sld [smem:$0x3FFD];
	_ =	sdelay $0x3  }
0x99: {  	_ =	strace s6  }
0x9a: {  	_ =	strace $0x8FFFFFFF  }
0x9b: {  	s20 =	sld [smem:$0x3FDB];
	_ =	sdelay $0x1  }
0x9c: {  	s7 =	simm.s32 $_scs_section_size  }
0x9d: {  	s8 =	simm.s32 $_size__tile_overlayer_lowered;
	s9 =	simm.s32 $_tile_overlayer_lowered  }
0x9e: {  	s23 =	simm.s32 $0x1BFF;
	s22 =	sshll.u32 s9, $0x1;
	s6 =	sadd.s32 s7, s20  }
0x9f: {  	s10 =	simm.s32 $0x0;
	s21 =	sshll.u32 s8, $0x1;
	s8 =	sadd.s32 s22, s6  }
0xa0: {  	[timem:s10], [sflag:s23] =	dma.local [hbm:s8], s21  }
0xa1: {  	_ =	swait.ge [sflag:s23], s21  }
0xa2: {  	s7 =	ssub.s32 $0x0, s21;
	[sflag:s23] =	ssyncset.done $0x0  }
0xa3: {  	[sflag:s23] =	ssyncadd.s32 s7;
	_ =	sdelay $0x1  }
0xa4: {  	s24 =	simm.s32 $0x1B8B  }
0xa5: {  	_ =	swait.ge [sflag:s24], $0x1  }
0xa6: {  	[sflag:s24] =	ssyncset.done $0x0  }
0xa7: {  	s25 =	simm.s32 $0x1B8E;
	[sflag:s24] =	ssyncadd.s32 $0xFFFFFFFF  }
0xa8: {  	s26 =	simm.s32 $execute0_lowered;
	[smem:$0x3FD2] =	sst s25  }
0xa9: {  	s7 =	sshll.u32 s26, $0x1;
	_ =	strace $0x80000046;
	[dreg:$0x1] =	wrdreg $0xFFFFFFFF  }
0xaa: {  	s28 =	simm.s32 $_size_execute0_lowered;
	s6 =	sadd.s32 s6, s7;
	[dreg:$0x0] =	wrdreg $0x0  }
0xab: {  	s7 =	sshll.u32 s28, $0x1;
	[dreg:$0x2] =	wrdreg s6  }
0xac: {  	[dreg:$0x3] =	wrdreg s7  }
0xad: {  	[dreg:$0x4] =	wrdreg $0xC0  }
0xae: {  	_ =	task [dreg:s10], $0x5FFFF  }
0xaf: {  	[dreg:$0x1] =	wrdreg $0xFFFFFFFF  }
0xb0: {  	[dreg:$0x0] =	wrdreg $0x60  }
0xb1: {  	[dreg:$0x2] =	wrdreg s2  }
0xb2: {  	[dreg:$0x3] =	wrdreg s19  }
0xb3: {  	[dreg:$0x4] =	wrdreg s4  }
0xb4: {  	[dreg:$0x5] =	wrdreg s5  }
0xb5: {  	[dreg:$0x6] =	wrdreg $0x9  }
0xb6: {  	_ =	task.clear_ibuf [dreg:s10], $0x7FFFF;
	_ =	strace $0x90000046  }
0xb7: {  	s29 =	simm.s32 $0x9;
	_ =	strace $0x80000048  }
0xb8: {  	_ =	swait.ge [sflag:s29], $0x1  }
0xb9: {  	[sflag:s29] =	ssyncadd.s32 $0xFFFFFFFF  }
0xba: {  	_ =	strace $0x90000048  }
0xbb: {  	_ =	sfence  }
0xbc: {  	s30 =	sld [smem:$0x0];
	_ =	sdelay $0x2  }
0xbd: {  	s31 =	sshll.u32 s1, $0xD;
	s1 =	sshrl.u32 s1, $0x2  }
0xbe: {  	s3 =	sand.u32 $0x4000, s31;
	s1 =	sadd.s32 s1, s30  }
0xbf: {  	s0 =	sor.u32 s3, s0;
	s1 =	sshll.u32 s1, $0x11  }
0xc0: {  	s0 =	sor.u32 s1, s0  }
0xc1: {  	s0 =	sadd.s32 $0x8F2B, s0  }
0xc2: {  	[sflag:s0] =	ssyncadd.remote.s32 $0x1  }
0xc3: {  	_ =	sfence.sel $0xFFFF  }
0xc4: {  	[dreg:$0x0] =	wrdreg $0xFFFFFFFF;
	(pc) =	sbr.abs _section_cstart, $3  }
0xc5: {  	[dreg:$0x1] =	wrdreg $0xFFFFFFFF  }
0xc6: {  	_ =	task.clear_ibuf [dreg:s10], $0x2FFFF;
	_ =	strace $0x9FFFFFFF  }
0xc7: {  	(tm) =	ssettm $0x7FFFFFFF  }
tec
execute0_lowered:
.L_overlay_start_1:
0x0: {  	(tag) =	ssettag $0x1  }
0x1: {  	s0 =	rddreg [dreg:$0x0]  }
0x2: {  	s5 =	rddreg [dreg:$0x1]  }
0x3: {  	s6 =	rddreg [dreg:$0x2]  }
0x4: {  	s7 =	rddreg [dreg:$0x3];
	s8 =	simm.s32 $0x0  }
0x5: {  	[smem:$0x7FF] =	sst s8;
	s16 =	sadd.s32 $0x100, s5  }
0x6: {  	s17 =	sadd.s32 $0x200, s5;
	_ =	strace $0x80000047;
	[dreg:$0xa] =	wrdreg s16  }
0x7: {  	s18 =	sadd.s32 $0x300, s5;
	[dreg:$0xb] =	wrdreg s17  }
0x8: {  	s19 =	sadd.s32 $0x400, s5;
	[dreg:$0xc] =	wrdreg s18  }
0x9: {  	s1 =	srdreg.scid;
	s20 =	sadd.s32 $0x500, s5;
	[dreg:$0xd] =	wrdreg s19  }
0xa: {  	s3 =	stileid.u32;
	s21 =	sadd.s32 $0x600, s5;
	[dreg:$0xe] =	wrdreg s20  }
0xb: {  	s1 =	sand.u32 $0x1, s1;
	s22 =	sadd.s32 $0x700, s5;
	[dreg:$0xf] =	wrdreg s21  }
0xc: {  	s2 =	sshll.u32 s3, $0x1;
	s23 =	sadd.s32 $0x200, s6;
	[dreg:$0x10] =	wrdreg s22  }
0xd: {  	s3 =	sshrl.u32 s3, $0x2;
	s24 =	sadd.s32 $0x400, s6;
	[dreg:$0x11] =	wrdreg s23  }
0xe: {  	s25 =	sadd.s32 $0x600, s6;
	s28 =	sadd.s32 $0x80000, s7;
	[dreg:$0x12] =	wrdreg s24  }
0xf: {  	s29 =	sadd.s32 $0x100000, s7;
	s30 =	sadd.s32 $0x180000, s7;
	[dreg:$0x13] =	wrdreg s25  }
0x10: {  	s2 =	sor.u32 s1, s2;
	s3 =	smul.u32 $0xC00, s3;
	[dreg:$0x15] =	wrdreg s28  }
0x11: {  	s1 =	ssub.s32 $0x2, s1;
	[dreg:$0x16] =	wrdreg s29;
	s4 =	sshll.u32 s2, $0x7  }
0x12: {  	[dreg:$0x17] =	wrdreg s30;
	s15 =	sshrl.u32 s1, $0x1;
	s4 =	sand.u32 $0x380, s4  }
0x13: {  	v3 =	vlaneseq.u32;
	s26 =	sshll.u32 s2, $0xE;
	s1 =	ssub.s32 s1, s15;
	s3 =	sor.u32 s3, s4  }
0x14: {  	vm0 =	vmmov $0xffff;
	v0 =	vand.u32 $0x7, v3;
	[dreg:$0x14] =	wrdreg s26;
	s31 =	smax.u32 s1, $0x1;
	s3 =	sshrl.u32 s3, $0x3  }
0x15: {  	v1 =	vshrl.u32 v3, $0x3;
	v4 =	vshrl.u32 v3, $0x2;
	v2 =	vor.u32 $0x8, v3;
	[dreg:$0x18] =	wrdreg s31;
	s0 =	sadd.s32 s0, s3  }
0x16: {  	v3 =	vand.u32 $0x3, v3;
	v1 =	vmul.u32 $0x8, v1;
	v4 =	vmul.u32 $0x8, v4;
	s2 =	simm.s32 $0x0;
	[dreg:$0x9] =	wrdreg s0  }
.LBB2_1:
0x17: {  	[dreg:$0x19] =	wrdreg s2  }
0x18: {  	s1 =	simm.s32 $0x0;
	s0 =	rddreg [dreg:$0x9]  }
0x19: {  	s14 =	simm.s32 $0x80;
	s3 =	simm.s32 $0x400;
	s15 =	simm.s32 $0x4  }
0x1a: {  	[tilespmem:s1], [sflag:$0x4] =	stream.strided.gather [hbm4b:s0+s14], $0x180, s3, s14, $0x38;
	[tilespmem:$0x1E180] =	vst v63  }
0x1b: {  	_ =	swait.ge [sflag:s15], $0x180  }
0x1c: {  	[sflag:s15] =	ssyncset.done $0x0  }
0x1d: {  	[sflag:s15] =	ssyncadd.s32 $0xFFFFFE80  }
0x1e: {  	v5 =	vld [tilespmem:$0x0];
	_ =	sdelay $0x4  }
0x1f: {  	v6 =	vshll.u32 v5, $0x4  }
0x20: {  	v5 =	vand.u32 $0x7, v5;
	v6 =	vand.u32 $0xFFFFFF80, v6  }
0x21: {  	v5 =	vor.u32 v5, v6  }
0x22: {  	v6 =	vperm.xlane v5, v0;
	_ =	sdelay $0x1  }
0x23: {  	v6 =	vadd.s32 v1, v6;
	_ =	sdelay $0x3  }
0x24: {  	s16 =	simm.s32 $0x180;
	s0 =	rddreg [dreg:$0x1]  }
0x25: {  	[tilespmem:s16], [sflag:$0x1] =	stream.indirect_vreg.gather [hbm4b:s0+s1], $0x80, v6, vm0, $0xb8;
	[tilespmem:$0x1E180] =	vst v63  }
0x26: {  	s17 =	simm.s32 $0x980;
	s2 =	rddreg [dreg:$0xa]  }
0x27: {  	[tilespmem:s17], [sflag:$0x1] =	stream.indirect_vreg.gather [hbm4b:s2+s1], $0x80, v6, vm0, $0xb8;
	[tilespmem:$0x1E180] =	vst v63  }
0x28: {  	s4 =	simm.s32 $0x1180;
	s3 =	rddreg [dreg:$0xb]  }
0x29: {  	[tilespmem:s4], [sflag:$0x1] =	stream.indirect_vreg.gather [hbm4b:s3+s1], $0x80, v6, vm0, $0xb8;
	[tilespmem:$0x1E180] =	vst v63  }
0x2a: {  	s5 =	simm.s32 $0x1980;
	s4 =	rddreg [dreg:$0xc]  }
0x2b: {  	[tilespmem:s5], [sflag:$0x1] =	stream.indirect_vreg.gather [hbm4b:s4+s1], $0x80, v6, vm0, $0xb8;
	[tilespmem:$0x1E180] =	vst v63  }
0x2c: {  	s6 =	simm.s32 $0x2180;
	s5 =	rddreg [dreg:$0xd]  }
0x2d: {  	[tilespmem:s6], [sflag:$0x1] =	stream.indirect_vreg.gather [hbm4b:s5+s1], $0x80, v6, vm0, $0xb8;
	[tilespmem:$0x1E180] =	vst v63  }
0x2e: {  	s7 =	simm.s32 $0x2980;
	v5 =	vperm.xlane v5, v2;
	s6 =	rddreg [dreg:$0xe]  }
0x2f: {  	[tilespmem:s7], [sflag:$0x1] =	stream.indirect_vreg.gather [hbm4b:s6+s1], $0x80, v6, vm0, $0xb8;
	[tilespmem:$0x1E180] =	vst v63  }
0x30: {  	s8 =	simm.s32 $0x3180;
	v5 =	vadd.s32 v1, v5;
	s7 =	rddreg [dreg:$0xf]  }
0x31: {  	[tilespmem:s8], [sflag:$0x1] =	stream.indirect_vreg.gather [hbm4b:s7+s1], $0x80, v6, vm0, $0xb8;
	[tilespmem:$0x1E180] =	vst v63  }
0x32: {  	s9 =	simm.s32 $0x3980;
	s8 =	rddreg [dreg:$0x10]  }
0x33: {  	[tilespmem:s9], [sflag:$0x1] =	stream.indirect_vreg.gather [hbm4b:s8+s1], $0x80, v6, vm0, $0xb8;
	[tilespmem:$0x1E180] =	vst v63  }
0x34: {  	s18 =	simm.s32 $0x4180  }
0x35: {  	[tilespmem:s18], [sflag:$0x1] =	stream.indirect_vreg.gather [hbm4b:s0+s1], $0x80, v5, vm0, $0xb8;
	[tilespmem:$0x1E180] =	vst v63  }
0x36: {  	s19 =	simm.s32 $0x4980  }
0x37: {  	[tilespmem:s19], [sflag:$0x1] =	stream.indirect_vreg.gather [hbm4b:s2+s1], $0x80, v5, vm0, $0xb8;
	[tilespmem:$0x1E180] =	vst v63  }
0x38: {  	s20 =	simm.s32 $0x5180  }
0x39: {  	[tilespmem:s20], [sflag:$0x1] =	stream.indirect_vreg.gather [hbm4b:s3+s1], $0x80, v5, vm0, $0xb8;
	[tilespmem:$0x1E180] =	vst v63  }
0x3a: {  	s21 =	simm.s32 $0x5980  }
0x3b: {  	[tilespmem:s21], [sflag:$0x1] =	stream.indirect_vreg.gather [hbm4b:s4+s1], $0x80, v5, vm0, $0xb8;
	[tilespmem:$0x1E180] =	vst v63  }
0x3c: {  	s22 =	simm.s32 $0x6180  }
0x3d: {  	[tilespmem:s22], [sflag:$0x1] =	stream.indirect_vreg.gather [hbm4b:s5+s1], $0x80, v5, vm0, $0xb8;
	[tilespmem:$0x1E180] =	vst v63  }
0x3e: {  	s23 =	simm.s32 $0x6980  }
0x3f: {  	[tilespmem:s23], [sflag:$0x1] =	stream.indirect_vreg.gather [hbm4b:s6+s1], $0x80, v5, vm0, $0xb8;
	[tilespmem:$0x1E180] =	vst v63  }
0x40: {  	s24 =	simm.s32 $0x7180  }
0x41: {  	[tilespmem:s24], [sflag:$0x1] =	stream.indirect_vreg.gather [hbm4b:s7+s1], $0x80, v5, vm0, $0xb8;
	[tilespmem:$0x1E180] =	vst v63  }
0x42: {  	s25 =	simm.s32 $0x7980  }
0x43: {  	[tilespmem:s25], [sflag:$0x1] =	stream.indirect_vreg.gather [hbm4b:s8+s1], $0x80, v5, vm0, $0xb8;
	[tilespmem:$0x1E180] =	vst v63  }
0x44: {  	v5 =	vld [tilespmem:$0x18];
	_ =	sdelay $0x4  }
0x45: {  	v6 =	vshll.u32 v5, $0x4  }
0x46: {  	v5 =	vand.u32 $0x7, v5;
	v6 =	vand.u32 $0xFFFFFF80, v6  }
0x47: {  	v5 =	vor.u32 v5, v6  }
0x48: {  	v6 =	vperm.xlane v5, v0;
	_ =	sdelay $0x1  }
0x49: {  	v6 =	vadd.s32 v1, v6;
	_ =	sdelay $0x3  }
0x4a: {  	s26 =	simm.s32 $0x8180  }
0x4b: {  	[tilespmem:s26], [sflag:$0x1] =	stream.indirect_vreg.gather [hbm4b:s0+s1], $0x80, v6, vm0, $0xb8;
	[tilespmem:$0x1E180] =	vst v63  }
0x4c: {  	s28 =	simm.s32 $0x8980  }
0x4d: {  	[tilespmem:s28], [sflag:$0x1] =	stream.indirect_vreg.gather [hbm4b:s2+s1], $0x80, v6, vm0, $0xb8;
	[tilespmem:$0x1E180] =	vst v63  }
0x4e: {  	s29 =	simm.s32 $0x9180  }
0x4f: {  	[tilespmem:s29], [sflag:$0x1] =	stream.indirect_vreg.gather [hbm4b:s3+s1], $0x80, v6, vm0, $0xb8;
	[tilespmem:$0x1E180] =	vst v63  }
0x50: {  	s30 =	simm.s32 $0x9980  }
0x51: {  	[tilespmem:s30], [sflag:$0x1] =	stream.indirect_vreg.gather [hbm4b:s4+s1], $0x80, v6, vm0, $0xb8;
	[tilespmem:$0x1E180] =	vst v63  }
0x52: {  	s31 =	simm.s32 $0xA180  }
0x53: {  	[tilespmem:s31], [sflag:$0x1] =	stream.indirect_vreg.gather [hbm4b:s5+s1], $0x80, v6, vm0, $0xb8;
	[tilespmem:$0x1E180] =	vst v63  }
0x54: {  	s10 =	simm.s32 $0xA980;
	v5 =	vperm.xlane v5, v2  }
0x55: {  	[tilespmem:s10], [sflag:$0x1] =	stream.indirect_vreg.gather [hbm4b:s6+s1], $0x80, v6, vm0, $0xb8;
	[tilespmem:$0x1E180] =	vst v63  }
0x56: {  	s11 =	simm.s32 $0xB180;
	v5 =	vadd.s32 v1, v5  }
0x57: {  	[tilespmem:s11], [sflag:$0x1] =	stream.indirect_vreg.gather [hbm4b:s7+s1], $0x80, v6, vm0, $0xb8;
	[tilespmem:$0x1E180] =	vst v63  }
0x58: {  	s12 =	simm.s32 $0xB980  }
0x59: {  	[tilespmem:s12], [sflag:$0x1] =	stream.indirect_vreg.gather [hbm4b:s8+s1], $0x80, v6, vm0, $0xb8;
	[tilespmem:$0x1E180] =	vst v63  }
0x5a: {  	s13 =	simm.s32 $0xC180  }
0x5b: {  	[tilespmem:s13], [sflag:$0x1] =	stream.indirect_vreg.gather [hbm4b:s0+s1], $0x80, v5, vm0, $0xb8;
	[tilespmem:$0x1E180] =	vst v63  }
0x5c: {  	s14 =	simm.s32 $0xC980  }
0x5d: {  	[tilespmem:s14], [sflag:$0x1] =	stream.indirect_vreg.gather [hbm4b:s2+s1], $0x80, v5, vm0, $0xb8;
	[tilespmem:$0x1E180] =	vst v63  }
0x5e: {  	s15 =	simm.s32 $0xD180  }
0x5f: {  	[tilespmem:s15], [sflag:$0x1] =	stream.indirect_vreg.gather [hbm4b:s3+s1], $0x80, v5, vm0, $0xb8;
	[tilespmem:$0x1E180] =	vst v63  }
0x60: {  	s16 =	simm.s32 $0xD980  }
0x61: {  	[tilespmem:s16], [sflag:$0x1] =	stream.indirect_vreg.gather [hbm4b:s4+s1], $0x80, v5, vm0, $0xb8;
	[tilespmem:$0x1E180] =	vst v63  }
0x62: {  	s17 =	simm.s32 $0xE180  }
0x63: {  	[tilespmem:s17], [sflag:$0x1] =	stream.indirect_vreg.gather [hbm4b:s5+s1], $0x80, v5, vm0, $0xb8;
	[tilespmem:$0x1E180] =	vst v63  }
0x64: {  	s18 =	simm.s32 $0xE980  }
0x65: {  	[tilespmem:s18], [sflag:$0x1] =	stream.indirect_vreg.gather [hbm4b:s6+s1], $0x80, v5, vm0, $0xb8;
	[tilespmem:$0x1E180] =	vst v63  }
0x66: {  	s19 =	simm.s32 $0xF180  }
0x67: {  	[tilespmem:s19], [sflag:$0x1] =	stream.indirect_vreg.gather [hbm4b:s7+s1], $0x80, v5, vm0, $0xb8;
	[tilespmem:$0x1E180] =	vst v63  }
0x68: {  	s20 =	simm.s32 $0xF980  }
0x69: {  	[tilespmem:s20], [sflag:$0x1] =	stream.indirect_vreg.gather [hbm4b:s8+s1], $0x80, v5, vm0, $0xb8;
	[tilespmem:$0x1E180] =	vst v63  }
0x6a: {  	v5 =	vld [tilespmem:$0x30];
	_ =	sdelay $0x4  }
0x6b: {  	v6 =	vshll.u32 v5, $0x4  }
0x6c: {  	v5 =	vand.u32 $0x7, v5;
	v6 =	vand.u32 $0xFFFFFF80, v6  }
0x6d: {  	v5 =	vor.u32 v5, v6  }
0x6e: {  	v6 =	vperm.xlane v5, v0;
	_ =	sdelay $0x1  }
0x6f: {  	v6 =	vadd.s32 v1, v6;
	_ =	sdelay $0x3  }
0x70: {  	s21 =	simm.s32 $0x10180  }
0x71: {  	[tilespmem:s21], [sflag:$0x1] =	stream.indirect_vreg.gather [hbm4b:s0+s1], $0x80, v6, vm0, $0xb8;
	[tilespmem:$0x1E180] =	vst v63  }
0x72: {  	s22 =	simm.s32 $0x10980  }
0x73: {  	[tilespmem:s22], [sflag:$0x1] =	stream.indirect_vreg.gather [hbm4b:s2+s1], $0x80, v6, vm0, $0xb8;
	[tilespmem:$0x1E180] =	vst v63  }
0x74: {  	s23 =	simm.s32 $0x11180  }
0x75: {  	[tilespmem:s23], [sflag:$0x1] =	stream.indirect_vreg.gather [hbm4b:s3+s1], $0x80, v6, vm0, $0xb8;
	[tilespmem:$0x1E180] =	vst v63  }
0x76: {  	s24 =	simm.s32 $0x11980  }
0x77: {  	[tilespmem:s24], [sflag:$0x1] =	stream.indirect_vreg.gather [hbm4b:s4+s1], $0x80, v6, vm0, $0xb8;
	[tilespmem:$0x1E180] =	vst v63  }
0x78: {  	s25 =	simm.s32 $0x12180  }
0x79: {  	[tilespmem:s25], [sflag:$0x1] =	stream.indirect_vreg.gather [hbm4b:s5+s1], $0x80, v6, vm0, $0xb8;
	[tilespmem:$0x1E180] =	vst v63  }
0x7a: {  	s26 =	simm.s32 $0x12980;
	v5 =	vperm.xlane v5, v2  }
0x7b: {  	[tilespmem:s26], [sflag:$0x1] =	stream.indirect_vreg.gather [hbm4b:s6+s1], $0x80, v6, vm0, $0xb8;
	[tilespmem:$0x1E180] =	vst v63  }
0x7c: {  	s28 =	simm.s32 $0x13180;
	v5 =	vadd.s32 v1, v5  }
0x7d: {  	[tilespmem:s28], [sflag:$0x1] =	stream.indirect_vreg.gather [hbm4b:s7+s1], $0x80, v6, vm0, $0xb8;
	[tilespmem:$0x1E180] =	vst v63  }
0x7e: {  	s29 =	simm.s32 $0x13980  }
0x7f: {  	[tilespmem:s29], [sflag:$0x1] =	stream.indirect_vreg.gather [hbm4b:s8+s1], $0x80, v6, vm0, $0xb8;
	[tilespmem:$0x1E180] =	vst v63  }
0x80: {  	s30 =	simm.s32 $0x14180  }
0x81: {  	[tilespmem:s30], [sflag:$0x1] =	stream.indirect_vreg.gather [hbm4b:s0+s1], $0x80, v5, vm0, $0xb8;
	[tilespmem:$0x1E180] =	vst v63  }
0x82: {  	s31 =	simm.s32 $0x14980  }
0x83: {  	[tilespmem:s31], [sflag:$0x1] =	stream.indirect_vreg.gather [hbm4b:s2+s1], $0x80, v5, vm0, $0xb8;
	[tilespmem:$0x1E180] =	vst v63  }
0x84: {  	s9 =	simm.s32 $0x15180  }
0x85: {  	[tilespmem:s9], [sflag:$0x1] =	stream.indirect_vreg.gather [hbm4b:s3+s1], $0x80, v5, vm0, $0xb8;
	[tilespmem:$0x1E180] =	vst v63  }
0x86: {  	s10 =	simm.s32 $0x15980  }
0x87: {  	[tilespmem:s10], [sflag:$0x1] =	stream.indirect_vreg.gather [hbm4b:s4+s1], $0x80, v5, vm0, $0xb8;
	[tilespmem:$0x1E180] =	vst v63  }
0x88: {  	s11 =	simm.s32 $0x16180  }
0x89: {  	[tilespmem:s11], [sflag:$0x1] =	stream.indirect_vreg.gather [hbm4b:s5+s1], $0x80, v5, vm0, $0xb8;
	[tilespmem:$0x1E180] =	vst v63  }
0x8a: {  	s12 =	simm.s32 $0x16980  }
0x8b: {  	[tilespmem:s12], [sflag:$0x1] =	stream.indirect_vreg.gather [hbm4b:s6+s1], $0x80, v5, vm0, $0xb8;
	[tilespmem:$0x1E180] =	vst v63  }
0x8c: {  	s13 =	simm.s32 $0x17180  }
0x8d: {  	[tilespmem:s13], [sflag:$0x1] =	stream.indirect_vreg.gather [hbm4b:s7+s1], $0x80, v5, vm0, $0xb8;
	[tilespmem:$0x1E180] =	vst v63  }
0x8e: {  	s14 =	simm.s32 $0x17980  }
0x8f: {  	[tilespmem:s14], [sflag:$0x1] =	stream.indirect_vreg.gather [hbm4b:s8+s1], $0x80, v5, vm0, $0xb8;
	[tilespmem:$0x1E180] =	vst v63  }
0x90: {  	v5 =	vld.msk [tilespmem:$0x10], $0xf;
	_ =	sdelay $0x4  }
0x91: {  	v6 =	vshll.u32 v5, $0x4  }
0x92: {  	v5 =	vand.u32 $0x7, v5;
	v6 =	vand.u32 $0xFFFFFF80, v6  }
0x93: {  	v5 =	vor.u32 v5, v6  }
0x94: {  	v5 =	vperm.xlane v5, v3;
	_ =	sdelay $0x1  }
0x95: {  	v5 =	vadd.s32 v4, v5;
	_ =	sdelay $0x3  }
0x96: {  	s15 =	rddreg [dreg:$0x2];
	s16 =	simm.s32 $0x18180  }
0x97: {  	[tilespmem:s16], [sflag:$0x2] =	stream.indirect_vreg.gather [hbm4b:s15+s1], $0x80, v5, vm0, $0xb8;
	[tilespmem:$0x1E180] =	vst v63  }
0x98: {  	s17 =	rddreg [dreg:$0x11];
	s18 =	simm.s32 $0x18980  }
0x99: {  	[tilespmem:s18], [sflag:$0x2] =	stream.indirect_vreg.gather [hbm4b:s17+s1], $0x80, v5, vm0, $0xb8;
	[tilespmem:$0x1E180] =	vst v63  }
0x9a: {  	s19 =	rddreg [dreg:$0x12];
	s20 =	simm.s32 $0x19180  }
0x9b: {  	[tilespmem:s20], [sflag:$0x2] =	stream.indirect_vreg.gather [hbm4b:s19+s1], $0x80, v5, vm0, $0xb8;
	[tilespmem:$0x1E180] =	vst v63  }
0x9c: {  	s21 =	rddreg [dreg:$0x13];
	s22 =	simm.s32 $0x19980  }
0x9d: {  	[tilespmem:s22], [sflag:$0x2] =	stream.indirect_vreg.gather [hbm4b:s21+s1], $0x80, v5, vm0, $0xb8;
	[tilespmem:$0x1E180] =	vst v63  }
0x9e: {  	v5 =	vld.msk [tilespmem:$0x28], $0xf;
	_ =	sdelay $0x4  }
0x9f: {  	v6 =	vshll.u32 v5, $0x4  }
0xa0: {  	v5 =	vand.u32 $0x7, v5;
	v6 =	vand.u32 $0xFFFFFF80, v6  }
0xa1: {  	v5 =	vor.u32 v5, v6  }
0xa2: {  	v5 =	vperm.xlane v5, v3;
	_ =	sdelay $0x1  }
0xa3: {  	v5 =	vadd.s32 v4, v5;
	_ =	sdelay $0x3  }
0xa4: {  	s23 =	simm.s32 $0x1A180  }
0xa5: {  	[tilespmem:s23], [sflag:$0x2] =	stream.indirect_vreg.gather [hbm4b:s15+s1], $0x80, v5, vm0, $0xb8;
	[tilespmem:$0x1E180] =	vst v63  }
0xa6: {  	s24 =	simm.s32 $0x1A980  }
0xa7: {  	[tilespmem:s24], [sflag:$0x2] =	stream.indirect_vreg.gather [hbm4b:s17+s1], $0x80, v5, vm0, $0xb8;
	[tilespmem:$0x1E180] =	vst v63  }
0xa8: {  	s25 =	simm.s32 $0x1B180  }
0xa9: {  	[tilespmem:s25], [sflag:$0x2] =	stream.indirect_vreg.gather [hbm4b:s19+s1], $0x80, v5, vm0, $0xb8;
	[tilespmem:$0x1E180] =	vst v63  }
0xaa: {  	s26 =	simm.s32 $0x1B980  }
0xab: {  	[tilespmem:s26], [sflag:$0x2] =	stream.indirect_vreg.gather [hbm4b:s21+s1], $0x80, v5, vm0, $0xb8;
	[tilespmem:$0x1E180] =	vst v63  }
0xac: {  	v5 =	vld.msk [tilespmem:$0x40], $0xf;
	_ =	sdelay $0x4  }
0xad: {  	v6 =	vshll.u32 v5, $0x4  }
0xae: {  	v5 =	vand.u32 $0x7, v5;
	v6 =	vand.u32 $0xFFFFFF80, v6  }
0xaf: {  	v5 =	vor.u32 v5, v6  }
0xb0: {  	v5 =	vperm.xlane v5, v3;
	_ =	sdelay $0x1  }
0xb1: {  	v5 =	vadd.s32 v4, v5;
	_ =	sdelay $0x3  }
0xb2: {  	s28 =	simm.s32 $0x1C180  }
0xb3: {  	[tilespmem:s28], [sflag:$0x2] =	stream.indirect_vreg.gather [hbm4b:s15+s1], $0x80, v5, vm0, $0xb8;
	[tilespmem:$0x1E180] =	vst v63  }
0xb4: {  	s29 =	simm.s32 $0x1C980  }
0xb5: {  	[tilespmem:s29], [sflag:$0x2] =	stream.indirect_vreg.gather [hbm4b:s17+s1], $0x80, v5, vm0, $0xb8;
	[tilespmem:$0x1E180] =	vst v63  }
0xb6: {  	s30 =	simm.s32 $0x1D180  }
0xb7: {  	[tilespmem:s30], [sflag:$0x2] =	stream.indirect_vreg.gather [hbm4b:s19+s1], $0x80, v5, vm0, $0xb8;
	[tilespmem:$0x1E180] =	vst v63  }
0xb8: {  	s31 =	simm.s32 $0x1D980;
	s13 =	simm.s32 $0x0  }
0xb9: {  	[tilespmem:s31], [sflag:$0x2] =	stream.indirect_vreg.gather [hbm4b:s21+s1], $0x80, v5, vm0, $0xb8;
	[tilespmem:$0x1E180] =	vst v63  }
.LBB2_2:
0xba: {  	p0 =	slt.u32 s13, $0x2  }
0xbb: {  	s0 =	simm.s32 @!p0 $0x3  }
0xbc: {  	_ =	swait.ge @!p0 [sflag:s0], $0x2000  }
0xbd: {  	[sflag:s0] =	ssyncset.done @!p0 $0x0  }
0xbe: {  	[sflag:s0] =	ssyncadd.s32 @!p0 $0xFFFFE000  }
0xbf: {  	_ =	swait.ge @!p0 [sflag:s0], $0x2000  }
0xc0: {  	[sflag:s0] =	ssyncset.done @!p0 $0x0  }
0xc1: {  	[sflag:s0] =	ssyncadd.s32 @!p0 $0xFFFFE000  }
0xc2: {  	p1 =	sgt.u32 s13, $0xF;
	_ =	swait.ge @!p0 [sflag:s0], $0x2000  }
.Ltmp0:
0xc3: {  	[sflag:s0] =	ssyncset.done @!p0 $0x0;
	(pc) =	sbr.rel @p1 .LBB2_4-.Ltmp0, $4  }
0xc4: {  	[sflag:s0] =	ssyncadd.s32 @!p0 $0xFFFFE000  }
0xc5: {  	_ =	swait.ge @!p0 [sflag:s0], $0x2000  }
0xc6: {  	[sflag:s0] =	ssyncset.done @!p0 $0x0  }
0xc7: {  	s12 =	sadd.s32 $0x1, s13;
	[sflag:s0] =	ssyncadd.s32 @!p0 $0xFFFFE000;
	s0 =	smul.u32 $0xAB, s13  }
0xc8: {  	s1 =	simm.s32 $0x1  }
0xc9: {  	s1 =	sshll.u32 s1, s13  }
0xca: {  	s1 =	sand.u32 $0x8003, s1  }
0xcb: {  	p0 =	sne.s32 s1, $0x0  }
.Ltmp1:
0xcc: {  	_ = 	snop;
	(pc) =	sbr.rel @p0 .LBB2_5-.Ltmp1, $1  }
0xcd: {  	_ =	sdelay $0x3  }
.LBB2_4:
0xce: {  	s1 =	smul.u32 $0x60, s12;
	_ =	sdelay $0x1  }
0xcf: {  	s1 =	sshra.s32 s1, $0x2  }
0xd0: {  	v5 =	vld [tilespmem:s1+$0x0];
	_ =	sdelay $0x4  }
0xd1: {  	v6 =	vshll.u32 v5, $0x4  }
0xd2: {  	s16 =	sadd.s32 $0xAB, s0;
	v5 =	vand.u32 $0x7, v5;
	v6 =	vand.u32 $0xFFFFFF80, v6  }
0xd3: {  	s1 =	sshrl.u32 s16, $0x9;
	v5 =	vor.u32 v5, v6  }
0xd4: {  	s1 =	sand.u32 $0x7F, s1;
	v6 =	vperm.xlane v5, v0  }
0xd5: {  	s1 =	smul.u32 $0x3, s1  }
0xd6: {  	v6 =	vadd.s32 v1, v6  }
0xd7: {  	s1 =	ssub.s32 s12, s1  }
0xd8: {  	s1 =	sand.u32 $0xFF, s1  }
0xd9: {  	s1 =	sshll.u32 s1, $0xF  }
0xda: {  	s3 =	rddreg [dreg:$0x1];
	s4 =	simm.s32 $0x0;
	s2 =	sor.u32 $0x180, s1  }
0xdb: {  	[tilespmem:s2], [sflag:$0x1] =	stream.indirect_vreg.gather [hbm4b:s3+s4], $0x80, v6, vm0, $0xb8;
	[tilespmem:$0x1E180] =	vst v63  }
0xdc: {  	s5 =	rddreg [dreg:$0xa];
	s17 =	sor.u32 $0x980, s1  }
0xdd: {  	[tilespmem:s17], [sflag:$0x1] =	stream.indirect_vreg.gather [hbm4b:s5+s4], $0x80, v6, vm0, $0xb8;
	[tilespmem:$0x1E180] =	vst v63  }
0xde: {  	s6 =	rddreg [dreg:$0xb];
	s18 =	sor.u32 $0x1180, s1  }
0xdf: {  	[tilespmem:s18], [sflag:$0x1] =	stream.indirect_vreg.gather [hbm4b:s6+s4], $0x80, v6, vm0, $0xb8;
	[tilespmem:$0x1E180] =	vst v63  }
0xe0: {  	s7 =	rddreg [dreg:$0xc];
	s19 =	sor.u32 $0x1980, s1  }
0xe1: {  	[tilespmem:s19], [sflag:$0x1] =	stream.indirect_vreg.gather [hbm4b:s7+s4], $0x80, v6, vm0, $0xb8;
	[tilespmem:$0x1E180] =	vst v63  }
0xe2: {  	s8 =	rddreg [dreg:$0xd];
	s20 =	sor.u32 $0x2180, s1  }
0xe3: {  	[tilespmem:s20], [sflag:$0x1] =	stream.indirect_vreg.gather [hbm4b:s8+s4], $0x80, v6, vm0, $0xb8;
	[tilespmem:$0x1E180] =	vst v63  }
0xe4: {  	s9 =	rddreg [dreg:$0xe];
	s21 =	sor.u32 $0x2980, s1;
	v5 =	vperm.xlane v5, v2  }
0xe5: {  	[tilespmem:s21], [sflag:$0x1] =	stream.indirect_vreg.gather [hbm4b:s9+s4], $0x80, v6, vm0, $0xb8;
	[tilespmem:$0x1E180] =	vst v63  }
0xe6: {  	s10 =	rddreg [dreg:$0xf];
	s22 =	sor.u32 $0x3180, s1;
	v5 =	vadd.s32 v1, v5  }
0xe7: {  	[tilespmem:s22], [sflag:$0x1] =	stream.indirect_vreg.gather [hbm4b:s10+s4], $0x80, v6, vm0, $0xb8;
	[tilespmem:$0x1E180] =	vst v63  }
0xe8: {  	s11 =	rddreg [dreg:$0x10];
	s23 =	sor.u32 $0x3980, s1  }
0xe9: {  	[tilespmem:s23], [sflag:$0x1] =	stream.indirect_vreg.gather [hbm4b:s11+s4], $0x80, v6, vm0, $0xb8;
	[tilespmem:$0x1E180] =	vst v63  }
0xea: {  	s24 =	sor.u32 $0x4180, s1  }
0xeb: {  	[tilespmem:s24], [sflag:$0x1] =	stream.indirect_vreg.gather [hbm4b:s3+s4], $0x80, v5, vm0, $0xb8;
	[tilespmem:$0x1E180] =	vst v63  }
0xec: {  	s25 =	sor.u32 $0x4980, s1  }
0xed: {  	[tilespmem:s25], [sflag:$0x1] =	stream.indirect_vreg.gather [hbm4b:s5+s4], $0x80, v5, vm0, $0xb8;
	[tilespmem:$0x1E180] =	vst v63  }
0xee: {  	s26 =	sor.u32 $0x5180, s1  }
0xef: {  	[tilespmem:s26], [sflag:$0x1] =	stream.indirect_vreg.gather [hbm4b:s6+s4], $0x80, v5, vm0, $0xb8;
	[tilespmem:$0x1E180] =	vst v63  }
0xf0: {  	s28 =	sor.u32 $0x5980, s1  }
0xf1: {  	[tilespmem:s28], [sflag:$0x1] =	stream.indirect_vreg.gather [hbm4b:s7+s4], $0x80, v5, vm0, $0xb8;
	[tilespmem:$0x1E180] =	vst v63  }
0xf2: {  	s29 =	sor.u32 $0x6180, s1  }
0xf3: {  	[tilespmem:s29], [sflag:$0x1] =	stream.indirect_vreg.gather [hbm4b:s8+s4], $0x80, v5, vm0, $0xb8;
	[tilespmem:$0x1E180] =	vst v63  }
0xf4: {  	s30 =	sor.u32 $0x6980, s1  }
0xf5: {  	[tilespmem:s30], [sflag:$0x1] =	stream.indirect_vreg.gather [hbm4b:s9+s4], $0x80, v5, vm0, $0xb8;
	[tilespmem:$0x1E180] =	vst v63  }
0xf6: {  	s31 =	sor.u32 $0x7180, s1  }
0xf7: {  	[tilespmem:s31], [sflag:$0x1] =	stream.indirect_vreg.gather [hbm4b:s10+s4], $0x80, v5, vm0, $0xb8;
	[tilespmem:$0x1E180] =	vst v63  }
0xf8: {  	s1 =	sor.u32 $0x7980, s1  }
0xf9: {  	[tilespmem:s1], [sflag:$0x1] =	stream.indirect_vreg.gather [hbm4b:s11+s4], $0x80, v5, vm0, $0xb8;
	[tilespmem:$0x1E180] =	vst v63  }
.LBB2_5:
0xfa: {  	[dreg:$0x1a] =	wrdreg s12;
	s0 =	sshrl.u32 s0, $0x9;
	s1 =	simm.s32 $0x1  }
0xfb: {  	s10 =	simm.s32 $0x2;
	s12 =	simm.s32 $0x0;
	s2 =	simm.s32 $0x0  }
0xfc: {  	s4 =	simm.s32 $0x0;
	s22 =	simm.s32 $0x0;
	s24 =	simm.s32 $0x40  }
0xfd: {  	s25 =	simm.s32 $0x4;
	s8 =	simm.s32 $0x1;
	s0 =	sand.u32 $0x7F, s0  }
0xfe: {  	_ =	swait.ge [sflag:s1], $0x8000;
	[dreg:$0x1b] =	wrdreg s13;
	s7 =	sand.u32 $0x40, s12  }
0xff: {  	s18 =	sand.u32 $0x180, s2;
	s0 =	smul.u32 $0x3, s0;
	[sflag:s1] =	ssyncset.done $0x0  }
0x100: {  	s26 =	sand.u32 $0xF, s22;
	s15 =	sor.u32 $0x30, s7;
	[sflag:s1] =	ssyncadd.s32 $0xFFFF8000  }
0x101: {  	s12 =	sor.u32 $0x10, s7;
	s0 =	ssub.s32 s13, s0;
	_ =	swait.ge [sflag:s10], $0x2000  }
0x102: {  	s13 =	sand.u32 $0xF, s4;
	s0 =	sand.u32 $0xFF, s0;
	[sflag:s10] =	ssyncset.done $0x0  }
0x103: {  	s4 =	sshll.u32 s13, $0x9;
	s16 =	sshll.u32 s13, $0xA;
	s21 =	sshll.u32 s0, $0xF  }
0x104: {  	[sflag:s10] =	ssyncadd.s32 $0xFFFFE000;
	s11 =	sshrl.u32 s21, $0x2;
	s3 =	sor.u32 $0x180, s21  }
0x105: {  	[dreg:$0x8] =	wrdreg s3;
	s5 =	sadd.s32 $0x18180, s11;
	s2 =	sadd.s32 s18, s3  }
0x106: {  	[dreg:$0x1c] =	wrdreg s11;
	s14 =	sadd.s32 s4, s5;
	s19 =	sadd.s32 s16, s2  }
0x107: {  	s11 =	sshll.u32 s26, $0x9;
	s1 =	sadd.s32 s18, s14;
	s2 =	sadd.s32 s15, s19  }
0x108: {  	s0 =	sor.u32 $0x20, s7;
	s30 =	sadd.s32 s11, s5;
	s17 =	sadd.s32 s15, s1;
	v11 =	vld [tilespmem:s2+$0x0]  }
0x109: {  	s14 =	sand.u32 $0x180, s25;
	s6 =	sadd.s32 s7, s1;
	v15 =	vld [tilespmem:s17+$0x0];
	s17 =	sand.u32 $0x40, s24  }
0x10a: {  	s10 =	sadd.s32 s12, s1;
	s1 =	sadd.s32 s0, s1;
	v12 =	vld [tilespmem:s6+$0x0];
	s31 =	sor.u32 $0x10, s17  }
0x10b: {  	s4 =	sadd.s32 s14, s30;
	v14 =	vld [tilespmem:s10+$0x0];
	s10 =	sor.u32 $0x30, s17;
	[dreg:$0x1f] =	wrdreg s31  }
0x10c: {  	s28 =	simm.s32 $0x8;
	s25 =	sand.u32 $0xF, s8;
	s6 =	sadd.s32 s10, s4;
	v5 =	vld [tilespmem:s1+$0x0]  }
0x10d: {  	s20 =	sadd.s32 $0x200, s19;
	s9 =	sadd.s32 s17, s4;
	v13 =	vld [tilespmem:s6+$0x0];
	[dreg:$0x1e] =	wrdreg s25  }
0x10e: {  	s29 =	sand.u32 $0x180, s28;
	s13 =	sor.u32 $0x4180, s21;
	s23 =	sadd.s32 s15, s20;
	v7 =	vld [tilespmem:s9+$0x0]  }
0x10f: {  	s11 =	sor.u32 $0x20, s17;
	s22 =	sadd.s32 s31, s4;
	v16 =	vld [tilespmem:s23+$0x0];
	[dreg:$0x5] =	wrdreg s5  }
0x110: {  	s30 =	simm.s32 $0x80;
	s31 =	sshll.u32 s25, $0x9;
	s4 =	sadd.s32 s11, s4;
	v8 =	vld [tilespmem:s22+$0x0]  }
0x111: {  	s24 =	sand.u32 $0x40, s30;
	s3 =	sadd.s32 s31, s5;
	s31 =	sadd.s32 s7, s20;
	v6 =	vld [tilespmem:s4+$0x0]  }
0x112: {  	s8 =	sadd.s32 s18, s13;
	s30 =	sadd.s32 s12, s20;
	s1 =	sor.u32 $0x30, s24;
	v17 =	vld [tilespmem:s31+$0x0]  }
0x113: {  	s25 =	sadd.s32 s16, s8;
	s8 =	sadd.s32 s12, s19;
	s22 =	sadd.s32 s29, s3;
	v11 =	vadd.f32 v11, v15;
	v18 =	vld [tilespmem:s30+$0x0]  }
0x114: {  	v20 =	vld [tilespmem:s8+$0x0];
	s5 =	sadd.s32 s1, s22;
	v16 =	vadd.f32 v16, v15  }
0x115: {  	s3 =	sadd.s32 s7, s19;
	v9 =	vld [tilespmem:s5+$0x0];
	[tilespmem:s2+$0x0] =	vst v11  }
0x116: {  	s4 =	sor.u32 $0x10, s24;
	s6 =	sadd.s32 s24, s22;
	[tilespmem:s23+$0x0] =	vst v16;
	v16 =	vld [tilespmem:s3+$0x0]  }
0x117: {  	s9 =	sadd.s32 s4, s22;
	v10 =	vld [tilespmem:s6+$0x0]  }
0x118: {  	s5 =	sadd.s32 s15, s25;
	v11 =	vld [tilespmem:s9+$0x0]  }
0x119: {  	s9 =	sadd.s32 s0, s20;
	v17 =	vadd.f32 v17, v12;
	v19 =	vld [tilespmem:s5+$0x0];
	[smem:$0x7FD] =	sst s0  }
0x11a: {  	s2 =	rddreg [dreg:$0x8];
	v21 =	vld [tilespmem:s9+$0x0]  }
0x11b: {  	s19 =	sadd.s32 s0, s19;
	s20 =	sshll.u32 s26, $0xA;
	s2 =	sadd.s32 s14, s2;
	[tilespmem:s31+$0x0] =	vst v17;
	v16 =	vadd.f32 v16, v12  }
0x11c: {  	s6 =	smov.u32 s0;
	v18 =	vadd.f32 v18, v14;
	v17 =	vld [tilespmem:s19+$0x0];
	s26 =	sadd.s32 s20, s2;
	[dreg:$0x1d] =	wrdreg s21  }
0x11d: {  	s0 =	sor.u32 $0x4380, s21;
	s21 =	sadd.s32 s10, s26;
	s2 =	sadd.s32 $0x200, s26;
	[tilespmem:s3+$0x0] =	vst v16;
	v16 =	vadd.f32 v20, v14  }
0x11e: {  	s18 =	sadd.s32 s18, s0;
	[tilespmem:s30+$0x0] =	vst v18;
	s30 =	sadd.s32 s10, s2;
	v18 =	vadd.f32 v19, v15;
	v19 =	vld [tilespmem:s21+$0x0]  }
0x11f: {  	s18 =	sadd.s32 s16, s18;
	v20 =	vld [tilespmem:s30+$0x0];
	s3 =	sadd.s32 s7, s25;
	[tilespmem:s8+$0x0] =	vst v16;
	v16 =	vadd.f32 v21, v5  }
0x120: {  	[tilespmem:s5+$0x0] =	vst v18;
	v18 =	vld [tilespmem:s3+$0x0];
	s5 =	sadd.s32 s15, s18  }
0x121: {  	v61 =	vld [tilespmem:s5+$0x0];
	s8 =	sadd.s32 s12, s25;
	[tilespmem:s9+$0x0] =	vst v16  }
0x122: {  	v17 =	vadd.f32 v17, v5;
	s15 =	sadd.s32 s17, s2;
	v22 =	vld [tilespmem:s8+$0x0];
	s23 =	rddreg [dreg:$0x1f]  }
0x123: {  	v16 =	vld [tilespmem:s15+$0x0];
	v19 =	vadd.f32 v19, v13;
	s9 =	sadd.s32 s23, s2  }
0x124: {  	[tilespmem:s19+$0x0] =	vst v17;
	v20 =	vadd.f32 v20, v13;
	v17 =	vld [tilespmem:s9+$0x0]  }
0x125: {  	s16 =	sadd.s32 s17, s26;
	[tilespmem:s21+$0x0] =	vst v19;
	v18 =	vadd.f32 v18, v12  }
0x126: {  	s19 =	sadd.s32 s14, s13;
	s2 =	sadd.s32 s11, s2;
	v19 =	vld [tilespmem:s16+$0x0];
	[tilespmem:s30+$0x0] =	vst v20;
	v15 =	vadd.f32 v61, v15  }
0x127: {  	s19 =	sadd.s32 s20, s19;
	v20 =	vld [tilespmem:s2+$0x0];
	[tilespmem:s3+$0x0] =	vst v18;
	v18 =	vadd.f32 v22, v14  }
0x128: {  	s30 =	sadd.s32 s10, s19;
	[tilespmem:s5+$0x0] =	vst v15;
	v15 =	vadd.f32 v16, v7  }
0x129: {  	s31 =	sadd.s32 s23, s26;
	v62 =	vld [tilespmem:s30+$0x0];
	[tilespmem:s8+$0x0] =	vst v18;
	v17 =	vadd.f32 v17, v8  }
0x12a: {  	s21 =	smov.u32 s11;
	s11 =	sadd.s32 s11, s26;
	v16 =	vld [tilespmem:s31+$0x0];
	[tilespmem:s15+$0x0] =	vst v15  }
0x12b: {  	v18 =	vld [tilespmem:s11+$0x0];
	v19 =	vadd.f32 v19, v7;
	[tilespmem:s9+$0x0] =	vst v17  }
0x12c: {  	s8 =	sadd.s32 s6, s25;
	v17 =	vadd.f32 v20, v6;
	s3 =	rddreg [dreg:$0x1e]  }
0x12d: {  	s7 =	sadd.s32 s7, s18;
	v15 =	vld [tilespmem:s8+$0x0];
	s15 =	sadd.s32 s17, s19;
	s5 =	rddreg [dreg:$0x8];
	[tilespmem:s16+$0x0] =	vst v19  }
0x12e: {  	s9 =	sadd.s32 s12, s18;
	v20 =	vld [tilespmem:s7+$0x0];
	s3 =	sshll.u32 s3, $0xA;
	s6 =	sadd.s32 s29, s5;
	[tilespmem:s2+$0x0] =	vst v17  }
0x12f: {  	v19 =	vadd.f32 v62, v13;
	v63 =	vld [tilespmem:s9+$0x0];
	s16 =	sadd.s32 s14, s0;
	s26 =	sadd.s32 s3, s6;
	[dreg:$0x6] =	wrdreg s0  }
0x130: {  	v18 =	vadd.f32 v18, v6;
	s5 =	sadd.s32 s20, s16;
	v17 =	vld [tilespmem:s15+$0x0];
	s14 =	sadd.s32 s1, s26  }
0x131: {  	v16 =	vadd.f32 v16, v8;
	s10 =	sadd.s32 s10, s5;
	s25 =	sadd.s32 $0x200, s26;
	[tilespmem:s30+$0x0] =	vst v19;
	v19 =	vld [tilespmem:s14+$0x0]  }
0x132: {  	v15 =	vadd.f32 v15, v5;
	[tilespmem:s11+$0x0] =	vst v18;
	s0 =	sadd.s32 s1, s25;
	v18 =	vld [tilespmem:s10+$0x0]  }
0x133: {  	[tilespmem:s31+$0x0] =	vst v16;
	s11 =	sadd.s32 s23, s19;
	v12 =	vadd.f32 v20, v12;
	v16 =	vld [tilespmem:s0+$0x0]  }
0x134: {  	[tilespmem:s8+$0x0] =	vst v15;
	v15 =	vld [tilespmem:s11+$0x0];
	s31 =	sadd.s32 s4, s25;
	v14 =	vadd.f32 v63, v14  }
0x135: {  	v20 =	vld [tilespmem:s31+$0x0];
	[tilespmem:s7+$0x0] =	vst v12;
	v12 =	vadd.f32 v17, v7  }
0x136: {  	s30 =	sadd.s32 s24, s25;
	s7 =	sor.u32 $0x20, s24;
	[tilespmem:s9+$0x0] =	vst v14  }
0x137: {  	s9 =	sadd.s32 s7, s22;
	v17 =	vld [tilespmem:s30+$0x0];
	v14 =	vadd.f32 v19, v9;
	[tilespmem:s15+$0x0] =	vst v12  }
0x138: {  	s16 =	sadd.s32 s29, s13;
	v12 =	vld [tilespmem:s9+$0x0];
	s15 =	sadd.s32 s7, s25;
	v16 =	vadd.f32 v16, v9;
	[dreg:$0x7] =	wrdreg s13  }
0x139: {  	s2 =	sadd.s32 s3, s16;
	s16 =	sadd.s32 s24, s26;
	v13 =	vadd.f32 v18, v13;
	[tilespmem:s14+$0x0] =	vst v14;
	v18 =	vld [tilespmem:s15+$0x0]  }
0x13a: {  	s6 =	smov.u32 s24;
	s25 =	sadd.s32 s1, s2;
	v19 =	vadd.f32 v20, v11;
	[tilespmem:s0+$0x0] =	vst v16;
	v16 =	vadd.f32 v15, v8;
	v15 =	vld [tilespmem:s16+$0x0]  }
0x13b: {  	s19 =	sadd.s32 s21, s19;
	s14 =	sadd.s32 s4, s26;
	s22 =	sld [smem:$0x7FD];
	[tilespmem:s10+$0x0] =	vst v13;
	v14 =	vld [tilespmem:s25+$0x0]  }
0x13c: {  	s8 =	sadd.s32 s21, s5;
	s20 =	sadd.s32 s7, s26;
	s9 =	sadd.s32 s23, s5;
	v13 =	vadd.f32 v17, v10;
	v17 =	vld [tilespmem:s14+$0x0];
	[tilespmem:s31+$0x0] =	vst v19  }
0x13d: {  	s13 =	sadd.s32 s17, s5;
	s17 =	simm.s32 $0xC0;
	s10 =	sadd.s32 s7, s2;
	[tilespmem:s11+$0x0] =	vst v16;
	v16 =	vld [tilespmem:s20+$0x0]  }
0x13e: {  	s11 =	sadd.s32 s4, s2;
	[tilespmem:s30+$0x0] =	vst v13;
	v13 =	vld [tilespmem:s19+$0x0];
	s12 =	sadd.s32 s22, s18;
	s18 =	sadd.s32 s24, s2;
	v18 =	vadd.f32 v18, v12  }
.LBB2_6:
0x13f: {  	s28 =	sadd.s32 $0x4, s28;
	s0 =	rddreg [dreg:$0x6]  }
0x140: {  	s26 =	sand.u32 $0x40, s17;
	v19 =	vld [tilespmem:s13+$0x0];
	s23 =	rddreg [dreg:$0x8];
	s2 =	sshrl.u32 s28, $0x3;
	v15 =	vadd.f32 v15, v10  }
0x141: {  	s5 =	sadd.s32 s29, s0;
	s29 =	sand.u32 $0x180, s28;
	[tilespmem:s15+$0x0] =	vst v18;
	v18 =	vld [tilespmem:s9+$0x0];
	s2 =	sand.u32 $0xF, s2;
	v14 =	vadd.f32 v14, v9  }
0x142: {  	s24 =	sadd.s32 s29, s23;
	s31 =	sadd.s32 s3, s5;
	s3 =	sshll.u32 s2, $0xA;
	v16 =	vadd.f32 v16, v12;
	[tilespmem:s16+$0x0] =	vst v15;
	v15 =	vadd.f32 v17, v11;
	v17 =	vld [tilespmem:s12+$0x0]  }
0x143: {  	s30 =	sadd.s32 s1, s31;
	s1 =	sor.u32 $0x30, s26;
	s5 =	sadd.s32 s3, s24;
	[tilespmem:s25+$0x0] =	vst v14;
	v20 =	vld [tilespmem:s18+$0x0]  }
0x144: {  	s22 =	rddreg [dreg:$0x5];
	s21 =	sshll.u32 s2, $0x9;
	s25 =	sadd.s32 s1, s5;
	[tilespmem:s20+$0x0] =	vst v16;
	v14 =	vld [tilespmem:s30+$0x0]  }
0x145: {  	s23 =	sadd.s32 s21, s22;
	s15 =	sadd.s32 $0x200, s5;
	v16 =	vadd.f32 v19, v7;
	v19 =	vld [tilespmem:s25+$0x0];
	[tilespmem:s14+$0x0] =	vst v15  }
0x146: {  	v13 =	vadd.f32 v13, v6;
	s14 =	sadd.s32 s29, s23;
	s23 =	sadd.s32 s1, s15;
	v15 =	vld [tilespmem:s11+$0x0]  }
0x147: {  	v7 =	vmov v10;
	v10 =	vadd.f32 v18, v8;
	[tilespmem:s13+$0x0] =	vst v16;
	s24 =	sadd.s32 s1, s14;
	v16 =	vld [tilespmem:s23+$0x0]  }
0x148: {  	s22 =	sor.u32 $0x10, s26;
	[tilespmem:s19+$0x0] =	vst v13;
	s20 =	sadd.s32 s26, s14;
	v13 =	vld [tilespmem:s24+$0x0]  }
0x149: {  	v8 =	vmov v11;
	s21 =	sadd.s32 s22, s15;
	[tilespmem:s9+$0x0] =	vst v10;
	v10 =	vld [tilespmem:s20+$0x0];
	v11 =	vadd.f32 v17, v5  }
0x14a: {  	s0 =	sor.u32 $0x20, s26;
	p0 =	slt.u32 s28, $0x1FC;
	s2 =	sadd.s32 s26, s15;
	v18 =	vld [tilespmem:s21+$0x0];
	v5 =	vmov v6;
	v6 =	vmov v12;
	v12 =	vadd.f32 v20, v7  }
0x14b: {  	s16 =	sadd.s32 s26, s5;
	s13 =	smov.u32 s6;
	s6 =	sadd.s32 s22, s14;
	v17 =	vadd.f32 v14, v9;
	v14 =	vld [tilespmem:s2+$0x0];
	[tilespmem:s12+$0x0] =	vst v11  }
0x14c: {  	s19 =	sadd.s32 s7, s31;
	s15 =	sadd.s32 s0, s15;
	s13 =	sadd.s32 s13, s31;
	v11 =	vld [tilespmem:s6+$0x0];
	[tilespmem:s18+$0x0] =	vst v12;
	v12 =	vadd.f32 v15, v8  }
0x14d: {  	s9 =	sadd.s32 s4, s31;
	s31 =	rddreg [dreg:$0x7];
	s24 =	sadd.s32 s0, s14;
	[tilespmem:s30+$0x0] =	vst v17;
	v15 =	vadd.f32 v19, v13;
	v9 =	vmov v13;
	v19 =	vld [tilespmem:s15+$0x0]  }
0x14e: {  	s7 =	smov.u32 s0;
	s20 =	sadd.s32 s0, s5;
	s0 =	sadd.s32 s29, s31;
	[tilespmem:s11+$0x0] =	vst v12;
	v12 =	vld [tilespmem:s24+$0x0];
	v13 =	vadd.f32 v16, v9  }
.Ltmp2:
0x14f: {  	s14 =	sadd.s32 s22, s5;
	s0 =	sadd.s32 s3, s0;
	[tilespmem:s25+$0x0] =	vst v15;
	v15 =	vld [tilespmem:s16+$0x0];
	(pc) =	sbr.rel @p0 .LBB2_6-.Ltmp2, $4  }
0x150: {  	v16 =	vadd.f32 v14, v10;
	s25 =	sadd.s32 s1, s0;
	v17 =	vld [tilespmem:s14+$0x0];
	[tilespmem:s23+$0x0] =	vst v13  }
0x151: {  	s17 =	sadd.s32 $0x40, s17;
	s4 =	smov.u32 s22;
	s6 =	smov.u32 s26;
	v13 =	vadd.f32 v18, v11;
	v14 =	vld [tilespmem:s25+$0x0]  }
0x152: {  	s12 =	smov.u32 s8;
	s8 =	smov.u32 s19;
	s19 =	smov.u32 s10;
	[tilespmem:s2+$0x0] =	vst v16;
	v16 =	vld [tilespmem:s20+$0x0]  }
0x153: {  	s10 =	sadd.s32 s7, s0;
	s18 =	sadd.s32 s6, s0;
	s11 =	sadd.s32 s4, s0;
	[tilespmem:s21+$0x0] =	vst v13;
	v13 =	vld [tilespmem:s19+$0x0];
	v18 =	vadd.f32 v19, v12  }
0x154: {  	v15 =	vadd.f32 v15, v10  }
0x155: {  	v17 =	vadd.f32 v17, v11  }
0x156: {  	[tilespmem:s16+$0x0] =	vst v15  }
0x157: {  	[tilespmem:s14+$0x0] =	vst v17;
	v15 =	vld [tilespmem:s18+$0x0];
	v16 =	vadd.f32 v16, v12  }
0x158: {  	[tilespmem:s15+$0x0] =	vst v18;
	v17 =	vld [tilespmem:s11+$0x0]  }
0x159: {  	[tilespmem:s20+$0x0] =	vst v16  }
0x15a: {  	v16 =	vld [tilespmem:s10+$0x0];
	s14 =	rddreg [dreg:$0x6]  }
0x15b: {  	v56 =	vld [tilespmem:s13+$0x0];
	v14 =	vadd.f32 v14, v9;
	s0 =	sadd.s32 s29, s14  }
0x15c: {  	v19 =	vld [tilespmem:s9+$0x0];
	s0 =	sadd.s32 s3, s0;
	v15 =	vadd.f32 v15, v10  }
0x15d: {  	v57 =	vld [tilespmem:s12+$0x0];
	[tilespmem:s25+$0x0] =	vst v14;
	s1 =	sadd.s32 s1, s0;
	v17 =	vadd.f32 v17, v11  }
0x15e: {  	v13 =	vadd.f32 v13, v6;
	s2 =	sadd.s32 s6, s0;
	[tilespmem:s18+$0x0] =	vst v15;
	v58 =	vld [tilespmem:s1+$0x0]  }
0x15f: {  	s3 =	sadd.s32 s4, s0;
	[tilespmem:s11+$0x0] =	vst v17;
	v59 =	vld [tilespmem:s2+$0x0];
	v16 =	vadd.f32 v16, v12  }
0x160: {  	v7 =	vadd.f32 v56, v7;
	[tilespmem:s19+$0x0] =	vst v13;
	v60 =	vld [tilespmem:s3+$0x0]  }
0x161: {  	v8 =	vadd.f32 v19, v8;
	v61 =	vld [tilespmem:s8+$0x0];
	s0 =	sadd.s32 s7, s0;
	[tilespmem:s10+$0x0] =	vst v16  }
0x162: {  	v5 =	vadd.f32 v57, v5;
	[tilespmem:s13+$0x0] =	vst v7;
	v7 =	vld [tilespmem:s0+$0x0]  }
0x163: {  	[tilespmem:s9+$0x0] =	vst v8;
	v62 =	vadd.f32 v58, v9  }
0x164: {  	[tilespmem:s12+$0x0] =	vst v5;
	v5 =	vadd.f32 v59, v10  }
0x165: {  	[tilespmem:s1+$0x0] =	vst v62;
	v63 =	vadd.f32 v60, v11  }
0x166: {  	s5 =	rddreg [dreg:$0x1b];
	[tilespmem:s2+$0x0] =	vst v5;
	v5 =	vadd.f32 v61, v6  }
0x167: {  	s25 =	sshll.u32 s5, $0xA;
	[tilespmem:s3+$0x0] =	vst v63;
	v6 =	vadd.f32 v7, v12  }
0x168: {  	s26 =	sshll.u32 s5, $0x6;
	s1 =	sand.u32 $0x3800, s25;
	s3 =	rddreg [dreg:$0x14];
	[tilespmem:s8+$0x0] =	vst v5  }
0x169: {  	s28 =	rddreg [dreg:$0x3];
	s2 =	sand.u32 $0x40, s26;
	s1 =	sor.u32 s3, s1;
	[tilespmem:s0+$0x0] =	vst v6  }
0x16a: {  	s1 =	sor.u32 s2, s1;
	s29 =	rddreg [dreg:$0x8]  }
0x16b: {  	s4 =	simm.s32 $0x0;
	s6 =	rddreg [dreg:$0x1d];
	s0 =	sadd.s32 s28, s1  }
0x16c: {  	[hbm4b:s0+s4] =	stream.linear.scatter [tilespmem:s29], [sflag:$0x3], $0x200, $0x38;
	[tilespmem:$0x1E180] =	vst v63  }
0x16d: {  	s30 =	sadd.s32 $0x580, s6;
	s31 =	sadd.s32 $0x80, s0  }
0x16e: {  	[hbm4b:s31+s4] =	stream.linear.scatter [tilespmem:s30], [sflag:$0x3], $0x200, $0x38;
	[tilespmem:$0x1E180] =	vst v63  }
0x16f: {  	s3 =	sadd.s32 $0x980, s6;
	s7 =	sadd.s32 $0x100, s0  }
0x170: {  	[hbm4b:s7+s4] =	stream.linear.scatter [tilespmem:s3], [sflag:$0x3], $0x200, $0x38;
	[tilespmem:$0x1E180] =	vst v63  }
0x171: {  	s8 =	sadd.s32 $0xD80, s6;
	s9 =	sadd.s32 $0x180, s0  }
0x172: {  	[hbm4b:s9+s4] =	stream.linear.scatter [tilespmem:s8], [sflag:$0x3], $0x200, $0x38;
	[tilespmem:$0x1E180] =	vst v63  }
0x173: {  	s10 =	sadd.s32 $0x1180, s6;
	s11 =	sadd.s32 $0x200, s0  }
0x174: {  	[hbm4b:s11+s4] =	stream.linear.scatter [tilespmem:s10], [sflag:$0x3], $0x200, $0x38;
	[tilespmem:$0x1E180] =	vst v63  }
0x175: {  	s12 =	sadd.s32 $0x1580, s6;
	s13 =	sadd.s32 $0x280, s0  }
0x176: {  	[hbm4b:s13+s4] =	stream.linear.scatter [tilespmem:s12], [sflag:$0x3], $0x200, $0x38;
	[tilespmem:$0x1E180] =	vst v63  }
0x177: {  	s15 =	sadd.s32 $0x1980, s6;
	s16 =	sadd.s32 $0x300, s0  }
0x178: {  	[hbm4b:s16+s4] =	stream.linear.scatter [tilespmem:s15], [sflag:$0x3], $0x200, $0x38;
	[tilespmem:$0x1E180] =	vst v63  }
0x179: {  	s17 =	sadd.s32 $0x1D80, s6;
	s18 =	sadd.s32 $0x380, s0  }
0x17a: {  	[hbm4b:s18+s4] =	stream.linear.scatter [tilespmem:s17], [sflag:$0x3], $0x200, $0x38;
	[tilespmem:$0x1E180] =	vst v63  }
0x17b: {  	s19 =	sadd.s32 $0x2180, s6;
	s20 =	sadd.s32 $0x400, s0  }
0x17c: {  	[hbm4b:s20+s4] =	stream.linear.scatter [tilespmem:s19], [sflag:$0x3], $0x200, $0x38;
	[tilespmem:$0x1E180] =	vst v63  }
0x17d: {  	s21 =	sadd.s32 $0x2580, s6;
	s22 =	sadd.s32 $0x480, s0  }
0x17e: {  	[hbm4b:s22+s4] =	stream.linear.scatter [tilespmem:s21], [sflag:$0x3], $0x200, $0x38;
	[tilespmem:$0x1E180] =	vst v63  }
0x17f: {  	s23 =	sadd.s32 $0x2980, s6;
	s24 =	sadd.s32 $0x500, s0  }
0x180: {  	[hbm4b:s24+s4] =	stream.linear.scatter [tilespmem:s23], [sflag:$0x3], $0x200, $0x38;
	[tilespmem:$0x1E180] =	vst v63  }
0x181: {  	s25 =	sadd.s32 $0x2D80, s6;
	s26 =	sadd.s32 $0x580, s0  }
0x182: {  	[hbm4b:s26+s4] =	stream.linear.scatter [tilespmem:s25], [sflag:$0x3], $0x200, $0x38;
	[tilespmem:$0x1E180] =	vst v63  }
0x183: {  	s28 =	sadd.s32 $0x3180, s6;
	s29 =	sadd.s32 $0x600, s0  }
0x184: {  	[hbm4b:s29+s4] =	stream.linear.scatter [tilespmem:s28], [sflag:$0x3], $0x200, $0x38;
	[tilespmem:$0x1E180] =	vst v63  }
0x185: {  	s30 =	sadd.s32 $0x3580, s6;
	s31 =	sadd.s32 $0x680, s0  }
0x186: {  	[hbm4b:s31+s4] =	stream.linear.scatter [tilespmem:s30], [sflag:$0x3], $0x200, $0x38;
	[tilespmem:$0x1E180] =	vst v63  }
0x187: {  	s7 =	sadd.s32 $0x3980, s6;
	s8 =	sadd.s32 $0x700, s0  }
0x188: {  	[hbm4b:s8+s4] =	stream.linear.scatter [tilespmem:s7], [sflag:$0x3], $0x200, $0x38;
	[tilespmem:$0x1E180] =	vst v63  }
0x189: {  	s9 =	sadd.s32 $0x3D80, s6;
	s0 =	sadd.s32 $0x780, s0;
	s10 =	rddreg [dreg:$0x15]  }
0x18a: {  	[hbm4b:s0+s4] =	stream.linear.scatter [tilespmem:s9], [sflag:$0x3], $0x200, $0x38;
	[tilespmem:$0x1E180] =	vst v63  }
0x18b: {  	s11 =	sadd.s32 $0x380, s6;
	s0 =	sadd.s32 s1, s10  }
0x18c: {  	[hbm4b:s0+s4] =	stream.linear.scatter [tilespmem:s11], [sflag:$0x3], $0x200, $0x38;
	[tilespmem:$0x1E180] =	vst v63  }
0x18d: {  	s12 =	sadd.s32 $0x780, s6;
	s13 =	sadd.s32 $0x80, s0  }
0x18e: {  	[hbm4b:s13+s4] =	stream.linear.scatter [tilespmem:s12], [sflag:$0x3], $0x200, $0x38;
	[tilespmem:$0x1E180] =	vst v63  }
0x18f: {  	s15 =	sadd.s32 $0xB80, s6;
	s16 =	sadd.s32 $0x100, s0  }
0x190: {  	[hbm4b:s16+s4] =	stream.linear.scatter [tilespmem:s15], [sflag:$0x3], $0x200, $0x38;
	[tilespmem:$0x1E180] =	vst v63  }
0x191: {  	s17 =	sadd.s32 $0xF80, s6;
	s18 =	sadd.s32 $0x180, s0  }
0x192: {  	[hbm4b:s18+s4] =	stream.linear.scatter [tilespmem:s17], [sflag:$0x3], $0x200, $0x38;
	[tilespmem:$0x1E180] =	vst v63  }
0x193: {  	s19 =	sadd.s32 $0x1380, s6;
	s20 =	sadd.s32 $0x200, s0  }
0x194: {  	[hbm4b:s20+s4] =	stream.linear.scatter [tilespmem:s19], [sflag:$0x3], $0x200, $0x38;
	[tilespmem:$0x1E180] =	vst v63  }
0x195: {  	s21 =	sadd.s32 $0x1780, s6;
	s22 =	sadd.s32 $0x280, s0  }
0x196: {  	[hbm4b:s22+s4] =	stream.linear.scatter [tilespmem:s21], [sflag:$0x3], $0x200, $0x38;
	[tilespmem:$0x1E180] =	vst v63  }
0x197: {  	s23 =	sadd.s32 $0x1B80, s6;
	s24 =	sadd.s32 $0x300, s0  }
0x198: {  	[hbm4b:s24+s4] =	stream.linear.scatter [tilespmem:s23], [sflag:$0x3], $0x200, $0x38;
	[tilespmem:$0x1E180] =	vst v63  }
0x199: {  	s25 =	sadd.s32 $0x1F80, s6;
	s26 =	sadd.s32 $0x380, s0  }
0x19a: {  	[hbm4b:s26+s4] =	stream.linear.scatter [tilespmem:s25], [sflag:$0x3], $0x200, $0x38;
	[tilespmem:$0x1E180] =	vst v63  }
0x19b: {  	s28 =	sadd.s32 $0x2380, s6;
	s29 =	sadd.s32 $0x400, s0  }
0x19c: {  	[hbm4b:s29+s4] =	stream.linear.scatter [tilespmem:s28], [sflag:$0x3], $0x200, $0x38;
	[tilespmem:$0x1E180] =	vst v63  }
0x19d: {  	s30 =	sadd.s32 $0x2780, s6;
	s31 =	sadd.s32 $0x480, s0  }
0x19e: {  	[hbm4b:s31+s4] =	stream.linear.scatter [tilespmem:s30], [sflag:$0x3], $0x200, $0x38;
	[tilespmem:$0x1E180] =	vst v63  }
0x19f: {  	s7 =	sadd.s32 $0x2B80, s6;
	s8 =	sadd.s32 $0x500, s0  }
0x1a0: {  	[hbm4b:s8+s4] =	stream.linear.scatter [tilespmem:s7], [sflag:$0x3], $0x200, $0x38;
	[tilespmem:$0x1E180] =	vst v63  }
0x1a1: {  	s9 =	sadd.s32 $0x2F80, s6;
	s10 =	sadd.s32 $0x580, s0  }
0x1a2: {  	[hbm4b:s10+s4] =	stream.linear.scatter [tilespmem:s9], [sflag:$0x3], $0x200, $0x38;
	[tilespmem:$0x1E180] =	vst v63  }
0x1a3: {  	s11 =	sadd.s32 $0x3380, s6;
	s12 =	sadd.s32 $0x600, s0  }
0x1a4: {  	[hbm4b:s12+s4] =	stream.linear.scatter [tilespmem:s11], [sflag:$0x3], $0x200, $0x38;
	[tilespmem:$0x1E180] =	vst v63  }
0x1a5: {  	s13 =	sadd.s32 $0x3780, s6;
	s15 =	sadd.s32 $0x680, s0  }
0x1a6: {  	[hbm4b:s15+s4] =	stream.linear.scatter [tilespmem:s13], [sflag:$0x3], $0x200, $0x38;
	[tilespmem:$0x1E180] =	vst v63  }
0x1a7: {  	s16 =	sadd.s32 $0x3B80, s6;
	s17 =	sadd.s32 $0x700, s0  }
0x1a8: {  	[hbm4b:s17+s4] =	stream.linear.scatter [tilespmem:s16], [sflag:$0x3], $0x200, $0x38;
	[tilespmem:$0x1E180] =	vst v63  }
0x1a9: {  	s18 =	sadd.s32 $0x3F80, s6;
	s0 =	sadd.s32 $0x780, s0;
	s19 =	rddreg [dreg:$0x16]  }
0x1aa: {  	[hbm4b:s0+s4] =	stream.linear.scatter [tilespmem:s18], [sflag:$0x3], $0x200, $0x38;
	[tilespmem:$0x1E180] =	vst v63  }
0x1ab: {  	s20 =	rddreg [dreg:$0x7];
	s0 =	sadd.s32 s1, s19  }
0x1ac: {  	[hbm4b:s0+s4] =	stream.linear.scatter [tilespmem:s20], [sflag:$0x3], $0x200, $0x38;
	[tilespmem:$0x1E180] =	vst v63  }
0x1ad: {  	s21 =	sadd.s32 $0x4580, s6;
	s22 =	sadd.s32 $0x80, s0  }
0x1ae: {  	[hbm4b:s22+s4] =	stream.linear.scatter [tilespmem:s21], [sflag:$0x3], $0x200, $0x38;
	[tilespmem:$0x1E180] =	vst v63  }
0x1af: {  	s23 =	sadd.s32 $0x4980, s6;
	s24 =	sadd.s32 $0x100, s0  }
0x1b0: {  	[hbm4b:s24+s4] =	stream.linear.scatter [tilespmem:s23], [sflag:$0x3], $0x200, $0x38;
	[tilespmem:$0x1E180] =	vst v63  }
0x1b1: {  	s25 =	sadd.s32 $0x4D80, s6;
	s26 =	sadd.s32 $0x180, s0  }
0x1b2: {  	[hbm4b:s26+s4] =	stream.linear.scatter [tilespmem:s25], [sflag:$0x3], $0x200, $0x38;
	[tilespmem:$0x1E180] =	vst v63  }
0x1b3: {  	s28 =	sadd.s32 $0x5180, s6;
	s29 =	sadd.s32 $0x200, s0  }
0x1b4: {  	[hbm4b:s29+s4] =	stream.linear.scatter [tilespmem:s28], [sflag:$0x3], $0x200, $0x38;
	[tilespmem:$0x1E180] =	vst v63  }
0x1b5: {  	s30 =	sadd.s32 $0x5580, s6;
	s31 =	sadd.s32 $0x280, s0  }
0x1b6: {  	[hbm4b:s31+s4] =	stream.linear.scatter [tilespmem:s30], [sflag:$0x3], $0x200, $0x38;
	[tilespmem:$0x1E180] =	vst v63  }
0x1b7: {  	s3 =	sadd.s32 $0x5980, s6;
	s7 =	sadd.s32 $0x300, s0  }
0x1b8: {  	[hbm4b:s7+s4] =	stream.linear.scatter [tilespmem:s3], [sflag:$0x3], $0x200, $0x38;
	[tilespmem:$0x1E180] =	vst v63  }
0x1b9: {  	s8 =	sadd.s32 $0x5D80, s6;
	s9 =	sadd.s32 $0x380, s0  }
0x1ba: {  	[hbm4b:s9+s4] =	stream.linear.scatter [tilespmem:s8], [sflag:$0x3], $0x200, $0x38;
	[tilespmem:$0x1E180] =	vst v63  }
0x1bb: {  	s10 =	sadd.s32 $0x6180, s6;
	s11 =	sadd.s32 $0x400, s0  }
0x1bc: {  	[hbm4b:s11+s4] =	stream.linear.scatter [tilespmem:s10], [sflag:$0x3], $0x200, $0x38;
	[tilespmem:$0x1E180] =	vst v63  }
0x1bd: {  	s12 =	sadd.s32 $0x6580, s6;
	s13 =	sadd.s32 $0x480, s0  }
0x1be: {  	[hbm4b:s13+s4] =	stream.linear.scatter [tilespmem:s12], [sflag:$0x3], $0x200, $0x38;
	[tilespmem:$0x1E180] =	vst v63  }
0x1bf: {  	s15 =	sadd.s32 $0x6980, s6;
	s16 =	sadd.s32 $0x500, s0  }
0x1c0: {  	[hbm4b:s16+s4] =	stream.linear.scatter [tilespmem:s15], [sflag:$0x3], $0x200, $0x38;
	[tilespmem:$0x1E180] =	vst v63  }
0x1c1: {  	s17 =	sadd.s32 $0x6D80, s6;
	s18 =	sadd.s32 $0x580, s0  }
0x1c2: {  	[hbm4b:s18+s4] =	stream.linear.scatter [tilespmem:s17], [sflag:$0x3], $0x200, $0x38;
	[tilespmem:$0x1E180] =	vst v63  }
0x1c3: {  	s19 =	sadd.s32 $0x7180, s6;
	s20 =	sadd.s32 $0x600, s0  }
0x1c4: {  	[hbm4b:s20+s4] =	stream.linear.scatter [tilespmem:s19], [sflag:$0x3], $0x200, $0x38;
	[tilespmem:$0x1E180] =	vst v63  }
0x1c5: {  	s21 =	sadd.s32 $0x7580, s6;
	s22 =	sadd.s32 $0x680, s0  }
0x1c6: {  	[hbm4b:s22+s4] =	stream.linear.scatter [tilespmem:s21], [sflag:$0x3], $0x200, $0x38;
	[tilespmem:$0x1E180] =	vst v63  }
0x1c7: {  	s23 =	sadd.s32 $0x7980, s6;
	s24 =	sadd.s32 $0x700, s0  }
0x1c8: {  	[hbm4b:s24+s4] =	stream.linear.scatter [tilespmem:s23], [sflag:$0x3], $0x200, $0x38;
	[tilespmem:$0x1E180] =	vst v63  }
0x1c9: {  	s0 =	sadd.s32 $0x780, s0;
	s25 =	sadd.s32 $0x7D80, s6;
	s26 =	rddreg [dreg:$0x17]  }
0x1ca: {  	[hbm4b:s0+s4] =	stream.linear.scatter [tilespmem:s25], [sflag:$0x3], $0x200, $0x38;
	[tilespmem:$0x1E180] =	vst v63  }
0x1cb: {  	s0 =	sadd.s32 s1, s26  }
0x1cc: {  	[hbm4b:s0+s4] =	stream.linear.scatter [tilespmem:s14], [sflag:$0x3], $0x200, $0x38;
	[tilespmem:$0x1E180] =	vst v63  }
0x1cd: {  	s28 =	sadd.s32 $0x4780, s6;
	s29 =	sadd.s32 $0x80, s0  }
0x1ce: {  	[hbm4b:s29+s4] =	stream.linear.scatter [tilespmem:s28], [sflag:$0x3], $0x200, $0x38;
	[tilespmem:$0x1E180] =	vst v63  }
0x1cf: {  	s30 =	sadd.s32 $0x4B80, s6;
	s31 =	sadd.s32 $0x100, s0  }
0x1d0: {  	[hbm4b:s31+s4] =	stream.linear.scatter [tilespmem:s30], [sflag:$0x3], $0x200, $0x38;
	[tilespmem:$0x1E180] =	vst v63  }
0x1d1: {  	s2 =	sadd.s32 $0x4F80, s6;
	s3 =	sadd.s32 $0x180, s0  }
0x1d2: {  	[hbm4b:s3+s4] =	stream.linear.scatter [tilespmem:s2], [sflag:$0x3], $0x200, $0x38;
	[tilespmem:$0x1E180] =	vst v63  }
0x1d3: {  	s7 =	sadd.s32 $0x5380, s6;
	s8 =	sadd.s32 $0x200, s0  }
0x1d4: {  	[hbm4b:s8+s4] =	stream.linear.scatter [tilespmem:s7], [sflag:$0x3], $0x200, $0x38;
	[tilespmem:$0x1E180] =	vst v63  }
0x1d5: {  	s9 =	sadd.s32 $0x5780, s6;
	s10 =	sadd.s32 $0x280, s0  }
0x1d6: {  	[hbm4b:s10+s4] =	stream.linear.scatter [tilespmem:s9], [sflag:$0x3], $0x200, $0x38;
	[tilespmem:$0x1E180] =	vst v63  }
0x1d7: {  	s11 =	sadd.s32 $0x5B80, s6;
	s12 =	sadd.s32 $0x300, s0  }
0x1d8: {  	[hbm4b:s12+s4] =	stream.linear.scatter [tilespmem:s11], [sflag:$0x3], $0x200, $0x38;
	[tilespmem:$0x1E180] =	vst v63  }
0x1d9: {  	s13 =	sadd.s32 $0x5F80, s6;
	s14 =	sadd.s32 $0x380, s0  }
0x1da: {  	[hbm4b:s14+s4] =	stream.linear.scatter [tilespmem:s13], [sflag:$0x3], $0x200, $0x38;
	[tilespmem:$0x1E180] =	vst v63  }
0x1db: {  	s15 =	sadd.s32 $0x6380, s6;
	s16 =	sadd.s32 $0x400, s0  }
0x1dc: {  	[hbm4b:s16+s4] =	stream.linear.scatter [tilespmem:s15], [sflag:$0x3], $0x200, $0x38;
	[tilespmem:$0x1E180] =	vst v63  }
0x1dd: {  	s17 =	sadd.s32 $0x6780, s6;
	s18 =	sadd.s32 $0x480, s0  }
0x1de: {  	[hbm4b:s18+s4] =	stream.linear.scatter [tilespmem:s17], [sflag:$0x3], $0x200, $0x38;
	[tilespmem:$0x1E180] =	vst v63  }
0x1df: {  	s19 =	sadd.s32 $0x6B80, s6;
	s20 =	sadd.s32 $0x500, s0  }
0x1e0: {  	[hbm4b:s20+s4] =	stream.linear.scatter [tilespmem:s19], [sflag:$0x3], $0x200, $0x38;
	[tilespmem:$0x1E180] =	vst v63  }
0x1e1: {  	s21 =	sadd.s32 $0x6F80, s6;
	s22 =	sadd.s32 $0x580, s0  }
0x1e2: {  	[hbm4b:s22+s4] =	stream.linear.scatter [tilespmem:s21], [sflag:$0x3], $0x200, $0x38;
	[tilespmem:$0x1E180] =	vst v63  }
0x1e3: {  	s23 =	sadd.s32 $0x7380, s6;
	s24 =	sadd.s32 $0x600, s0  }
0x1e4: {  	[hbm4b:s24+s4] =	stream.linear.scatter [tilespmem:s23], [sflag:$0x3], $0x200, $0x38;
	[tilespmem:$0x1E180] =	vst v63  }
0x1e5: {  	s25 =	sadd.s32 $0x7780, s6;
	s26 =	sadd.s32 $0x680, s0  }
0x1e6: {  	[hbm4b:s26+s4] =	stream.linear.scatter [tilespmem:s25], [sflag:$0x3], $0x200, $0x38;
	[tilespmem:$0x1E180] =	vst v63  }
0x1e7: {  	p0 =	sgt.u32 s5, $0xC;
	s28 =	sadd.s32 $0x7B80, s6;
	s29 =	sadd.s32 $0x700, s0  }
0x1e8: {  	[hbm4b:s29+s4] =	stream.linear.scatter [tilespmem:s28], [sflag:$0x3], $0x200, $0x38;
	[tilespmem:$0x1E180] =	vst v63  }
0x1e9: {  	s0 =	sadd.s32 $0x780, s0;
	s30 =	sadd.s32 $0x7F80, s6;
	s2 =	smul.u32 @!p0 $0x60, s5  }
0x1ea: {  	[hbm4b:s0+s4] =	stream.linear.scatter [tilespmem:s30], [sflag:$0x3], $0x200, $0x38;
	[tilespmem:$0x1E180] =	vst v63  }
0x1eb: {  	s0 =	sshra.s32 @!p0 s2, $0x2  }
0x1ec: {  	v5 =	vld.msk @!p0 [tilespmem:s0+$0x58], $0xf;
	_ =	sdelay $0x4  }
0x1ed: {  	v6 =	vshll.u32 @!p0 v5, $0x4  }
0x1ee: {  	v7 =	vlaneseq.u32 @!p0;
	v5 =	vand.u32 @!p0 $0x7, v5;
	v6 =	vand.u32 @!p0 $0xFFFFFF80, v6  }
0x1ef: {  	v5 =	vor.u32 @!p0 v5, v6;
	v6 =	vand.u32 @!p0 $0x3, v7;
	v7 =	vshrl.u32 @!p0 v7, $0x2  }
0x1f0: {  	v5 =	vperm.xlane @!p0 v5, v6;
	v6 =	vmul.u32 @!p0 $0x8, v7;
	_ =	sdelay $0x1  }
0x1f1: {  	v5 =	vadd.s32 @!p0 v6, v5  }
0x1f2: {  	s1 =	rddreg [dreg:$0x2]  }
0x1f3: {  	s31 =	rddreg [dreg:$0x1a]  }
0x1f4: {  	s3 =	rddreg [dreg:$0x1c]  }
0x1f5: {  	vm1 =	vmmov @!p0 $0xffff;
	s2 =	rddreg [dreg:$0x5];
	s0 =	simm.s32 @!p0 $0x0  }
0x1f6: {  	[tilespmem:s2], [sflag:$0x2] =	stream.indirect_vreg.gather @!p0 [hbm4b:s1+s0], $0x80, v5, vm1, $0xb8;
	[tilespmem:$0x1E180] =	vst v63  }
0x1f7: {  	s1 =	sadd.s32 @!p0 $0x18980, s3;
	s2 =	rddreg [dreg:$0x11]  }
0x1f8: {  	[tilespmem:s1], [sflag:$0x2] =	stream.indirect_vreg.gather @!p0 [hbm4b:s2+s0], $0x80, v5, vm1, $0xb8;
	[tilespmem:$0x1E180] =	vst v63  }
0x1f9: {  	s1 =	sadd.s32 @!p0 $0x19180, s3;
	s2 =	rddreg [dreg:$0x12]  }
0x1fa: {  	[tilespmem:s1], [sflag:$0x2] =	stream.indirect_vreg.gather @!p0 [hbm4b:s2+s0], $0x80, v5, vm1, $0xb8;
	[tilespmem:$0x1E180] =	vst v63  }
0x1fb: {  	s1 =	sadd.s32 @!p0 $0x19980, s3;
	s2 =	rddreg [dreg:$0x13]  }
0x1fc: {  	[tilespmem:s1], [sflag:$0x2] =	stream.indirect_vreg.gather @!p0 [hbm4b:s2+s0], $0x80, v5, vm1, $0xb8;
	[tilespmem:$0x1E180] =	vst v63  }
0x1fd: {  	p0 =	sne.s32 s31, $0x10  }
.Ltmp3:
0x1fe: {  	_ = 	snop;
	(pc) =	sbr.rel @p0 .LBB2_2-.Ltmp3, $2  }
0x1ff: {  	_ =	sdelay $0x2  }
0x200: {  	s13 =	smov.u32 s31  }
0x201: {  	s1 =	simm.s32 $0x3  }
0x202: {  	_ =	swait.ge [sflag:s1], $0x2000  }
0x203: {  	[sflag:s1] =	ssyncset.done $0x0  }
0x204: {  	[sflag:s1] =	ssyncadd.s32 $0xFFFFE000  }
0x205: {  	_ =	swait.ge [sflag:s1], $0x2000  }
0x206: {  	[sflag:s1] =	ssyncset.done $0x0  }
0x207: {  	[sflag:s1] =	ssyncadd.s32 $0xFFFFE000  }
0x208: {  	_ =	swait.ge [sflag:s1], $0x2000  }
0x209: {  	[sflag:s1] =	ssyncset.done $0x0  }
0x20a: {  	[sflag:s1] =	ssyncadd.s32 $0xFFFFE000  }
0x20b: {  	_ =	swait.ge [sflag:s1], $0x2000  }
0x20c: {  	[sflag:s1] =	ssyncset.done $0x0  }
0x20d: {  	[sflag:s1] =	ssyncadd.s32 $0xFFFFE000  }
0x20e: {  	_ =	swait.ge [sflag:s1], $0x2000  }
0x20f: {  	[sflag:s1] =	ssyncset.done $0x0  }
0x210: {  	[sflag:s1] =	ssyncadd.s32 $0xFFFFE000  }
0x211: {  	_ =	swait.ge [sflag:s1], $0x2000  }
0x212: {  	[sflag:s1] =	ssyncset.done $0x0  }
0x213: {  	[sflag:s1] =	ssyncadd.s32 $0xFFFFE000  }
0x214: {  	_ =	swait.ge [sflag:s1], $0x2000  }
0x215: {  	[sflag:s1] =	ssyncset.done $0x0  }
0x216: {  	[sflag:s1] =	ssyncadd.s32 $0xFFFFE000  }
0x217: {  	_ =	swait.ge [sflag:s1], $0x2000  }
0x218: {  	s2 =	rddreg [dreg:$0x19]  }
0x219: {  	s0 =	rddreg [dreg:$0x18];
	s2 =	sadd.s32 $0x1, s2  }
0x21a: {  	p0 =	sne.s32 s2, s0  }
.Ltmp4:
0x21b: {  	_ = 	snop;
	(pc) =	sbr.rel @p0 .LBB2_1-.Ltmp4, $3  }
0x21c: {  	_ =	sdelay $0x1  }
0x21d: {  	[sflag:s1] =	ssyncset.done $0x0  }
0x21e: {  	[sflag:s1] =	ssyncadd.s32 $0xFFFFE000  }
0x21f: {  	_ =	sfence.sel $0x180000  }
0x220: {  	[bflag:$0x0] =	sbarrier.arrive $0xFFFF  }
0x221: {  	_ =	strace $0x90000047  }
0x222: {  	s0 =	stileid.u32;
	[bflag:$0x2] =	sbarrier.arrive $0xFFFF  }
0x223: {  	p0 =	sne.s32 s0, $0x0;
	s0 =	rddreg [dreg:$0x4]  }
0x224: {  	s0 =	sadd.s32 @!p0 $0x100000, s0  }
0x225: {  	[sflag:s0] =	ssyncadd.tile.s32 @!p0 $0x1;
	_ =	shalt  }
.Lfunc_end2:
_tile_overlayer_lowered:
.L_overlay_start_2:
0x226: {  	(tag) =	ssettag $0x2  }
0x227: {  	s0 =	rddreg [dreg:$0x0];
	s2 =	stileid.u32  }
0x228: {  	s1 =	rddreg [dreg:$0x1];
	p0 =	sne.s32 s2, $0x0  }
0x229: {  	s3 =	rddreg [dreg:$0x2];
	[bflag:$0x3] =	sbarrier.arrive $0xFFFF;
	s2 =	simm.s32 @!p0 $0x1C04  }
0x22a: {  	[timem:s3], [sflag:s2] =	dma.local @!p0 [hbm:s0], s1  }
0x22b: {  	s0 =	simm.s32 @!p0 $0x4  }
0x22c: {  	_ =	swait.ge @!p0 [sflag:s0], s1  }
0x22d: {  	s1 =	ssub.s32 @!p0 $0x0, s1;
	[sflag:s0] =	ssyncset.done @!p0 $0x0  }
0x22e: {  	[sflag:s0] =	ssyncadd.s32 @!p0 s1  }
0x22f: {  	[bflag:$0x3] =	sbarrier.arrive $0xFFFF  }
0x230: {  	_ =	shalt  }

</sc_bundles>
